<compile_context>
chip_gen: v7x
topology: tpu7x:2x2x1
jax: 0.10.2.dev20260603
libtpu: 0.0.44.dev20260713+nightly
codegen_flags: <defaults>
</compile_context>

<pallas_src>
import functools

import jax
import jax.numpy as jnp
from jax import lax
from jax.experimental import pallas as pl
from jax.experimental.pallas import tpu as pltpu
from jax.experimental.pallas import tpu_sc as plsc

_NC, _NS = 2, 16
_NW = _NC * _NS
_C = 32


def _gather_call(S_batch, S_seq, D, G):
    mesh = plsc.VectorSubcoreMesh(core_axis_name="c", subcore_axis_name="s")
    per_w = G * _C
    w_per_row = S_seq // per_w

    @functools.partial(
        pl.kernel,
        out_type=jax.ShapeDtypeStruct((S_batch, S_seq, D), jnp.float32),
        mesh=mesh,
        scratch_types=[
            pltpu.VMEM((per_w,), jnp.int32),
            pltpu.VMEM((_C, D), jnp.float32),
            pltpu.VMEM((_C, D), jnp.float32),
            pltpu.VMEM((_C, D), jnp.float32),
            pltpu.SemaphoreType.DMA,
            pltpu.SemaphoreType.DMA,
        ],
    )
    def k(idx_hbm, table_hbm, out_hbm, idx_v, rows0, rows1, rows2, gsem, ssem):
        wid = lax.axis_index("s") * _NC + lax.axis_index("c")
        b = wid // w_per_row
        col = (wid % w_per_row) * per_w
        pltpu.sync_copy(idx_hbm.at[b, pl.ds(col, per_w)], idx_v)
        bufs = (rows0, rows1, rows2)
        nb = len(bufs)

        gathers = [None] * G
        scats = [None] * G
        for g in range(nb - 1):
            gathers[g] = pltpu.async_copy(
                table_hbm.at[idx_v.at[pl.ds(g * _C, _C)]], bufs[g], gsem)
        for g in range(G):
            gathers[g].wait()
            if g + nb - 1 < G:
                if g >= 1:
                    scats[g - 1].wait()
                gathers[g + nb - 1] = pltpu.async_copy(
                    table_hbm.at[idx_v.at[pl.ds((g + nb - 1) * _C, _C)]],
                    bufs[(g + nb - 1) % nb], gsem)
            scats[g] = pltpu.async_copy(
                bufs[g % nb], out_hbm.at[b, pl.ds(col + g * _C, _C)], ssem)
        for g in range(G - nb, G):
            if g >= 0:
                scats[g].wait()

    return k


def kernel(positions, pos_emb):
    S_batch, S_seq = positions.shape
    D = pos_emb.shape[1]
    G = positions.size // (_NW * _C)
    idx = positions.astype(jnp.int32)
    return _gather_call(S_batch, S_seq, D, G)(idx, pos_emb)

# --- scband reference (transcript-rebuilt; emitter-appended) ---
"""Pipeline reference for scband-sinusoidal-positional-embedding-10359461118661 (READ-ONLY COPY).

The authoritative reference and input builder live on the scoring server;
editing this copy changes nothing except your own understanding.
"""

import math
import jax, jax.numpy as jnp
import numpy as np

EMBEDDING_DIM = 1024
NUM_EMBEDDINGS = 8192

def _build_pos_emb(num_embeddings, embedding_dim):
    position = jnp.arange(0, num_embeddings, dtype=jnp.float32)[:, None]
    div_term = jnp.exp(jnp.arange(0, embedding_dim, 2, dtype=jnp.float32) * -(math.log(10000.0) / embedding_dim))
    angles = position * div_term  # [num_embeddings, embedding_dim//2]
    pe = jnp.zeros((num_embeddings, embedding_dim), dtype=jnp.float32)
    pe = pe.at[:, 0::2].set(jnp.sin(angles))
    pe = pe.at[:, 1::2].set(jnp.cos(angles))
    return pe

def setup_inputs(seed: int = 0) -> dict:
    key = jax.random.key(seed)
    positions = jax.random.randint(key, (4, 4096), 0, NUM_EMBEDDINGS, dtype=jnp.int64)
    pos_emb = _build_pos_emb(NUM_EMBEDDINGS, EMBEDDING_DIM)
    return {"positions": positions, "pos_emb": pos_emb}

def reference(positions, pos_emb):
    flat = positions.reshape(-1)
    out = jnp.take(pos_emb, flat, axis=0)
    return out.reshape(positions.shape + (-1,))

if __name__ == "__main__":
    import jax
    _d = setup_inputs()
    print(jax.jit(kernel)(*tuple(_d.values())))

</pallas_src>

<mosaic_0001>
#map = affine_map<(d0, d1) -> (0, 0)>
#map1 = affine_map<(d0, d1) -> (0, 0, 0)>
module attributes {stable_mosaic.version = 14 : i64} {
  func.func @k(%arg0: i32, %arg1: i32, %arg2: memref<4x4096xi32, #tpu.memory_space<hbm>>, %arg3: memref<8192x1024xf32, #tpu.memory_space<hbm>>, %arg4: memref<4x4096x1024xf32, #tpu.memory_space<hbm>>, %arg5: memref<512xi32, #tpu.memory_space<vmem>>, %arg6: memref<32x1024xf32, #tpu.memory_space<vmem>>, %arg7: memref<32x1024xf32, #tpu.memory_space<vmem>>, %arg8: memref<32x1024xf32, #tpu.memory_space<vmem>>, %arg9: memref<!tpu.dma_semaphore, #tpu.memory_space<semaphore_mem>>, %arg10: memref<!tpu.dma_semaphore, #tpu.memory_space<semaphore_mem>>) attributes {dimension_semantics = [#tpu.dimension_semantics<core_parallel>, #tpu.dimension_semantics<subcore_parallel>], iteration_bounds = array<i64: 2, 16>, scalar_prefetch = 0 : i64, scratch_operands = 6 : i64, tpu.core_type = #tpu.core_type<sc_vector_subcore>, window_params = [{transform_indices = #map}, {transform_indices = #map}, {transform_indices = #map1}]} {
    %mul3A = arith.constant 2 : i32
    %mul3A_0 = arith.muli %arg1, %mul3A : i32
    %add3A = arith.addi %mul3A_0, %arg0 : i32
    %jit3A = arith.constant 8 : i32
    %div3A = arith.divsi %add3A, %jit3A : i32
    %sign3A = arith.constant 0 : i32
    %sign3A_1 = arith.cmpi sgt, %add3A, %sign3A : i32
    %sign3A_2 = arith.extui %sign3A_1 : i1 to i32
    %sign3A_3 = arith.constant 0 : i32
    %sign3A_4 = arith.cmpi slt, %add3A, %sign3A_3 : i32
    %sign3A_5 = arith.extui %sign3A_4 : i1 to i32
    %sign3A_6 = arith.subi %sign3A_2, %sign3A_5 : i32
    %sign3A_7 = arith.constant 0 : i32
    %sign3A_8 = arith.cmpi sgt, %jit3A, %sign3A_7 : i32
    %sign3A_9 = arith.extui %sign3A_8 : i1 to i32
    %sign3A_10 = arith.constant 0 : i32
    %sign3A_11 = arith.cmpi slt, %jit3A, %sign3A_10 : i32
    %sign3A_12 = arith.extui %sign3A_11 : i1 to i32
    %sign3A_13 = arith.subi %sign3A_9, %sign3A_12 : i32
    %ne3A = arith.cmpi ne, %sign3A_6, %sign3A_13 : i32
    %rem3A = arith.remsi %add3A, %jit3A : i32
    %ne3A_14 = arith.constant 0 : i32
    %ne3A_15 = arith.cmpi ne, %rem3A, %ne3A_14 : i32
    %and3A = arith.andi %ne3A, %ne3A_15 : i1
    %sub3A = arith.constant 1 : i32
    %sub3A_16 = arith.subi %div3A, %sub3A : i32
    %select_n3A = arith.select %and3A, %sub3A_16, %div3A : i32
    %jit3A_17 = arith.constant 8 : i32
    %eq3A = arith.constant 0 : i32
    %eq3A_18 = arith.cmpi eq, %jit3A_17, %eq3A : i32
    %jit3A_19 = arith.constant 1 : i32
    %select_n3A_20 = arith.select %eq3A_18, %jit3A_19, %jit3A_17 : i32
    %rem3A_21 = arith.remsi %add3A, %select_n3A_20 : i32
    %ne3A_22 = arith.constant 0 : i32
    %ne3A_23 = arith.cmpi ne, %rem3A_21, %ne3A_22 : i32
    %lt3A = arith.constant 0 : i32
    %lt3A_24 = arith.cmpi slt, %rem3A_21, %lt3A : i32
    %lt3A_25 = arith.constant 0 : i32
    %lt3A_26 = arith.cmpi slt, %select_n3A_20, %lt3A_25 : i32
    %ne3A_27 = arith.xori %lt3A_24, %lt3A_26 : i1
    %and3A_28 = arith.andi %ne3A_27, %ne3A_23 : i1
    %add3A_29 = arith.addi %rem3A_21, %select_n3A_20 : i32
    %select_n3A_30 = arith.select %and3A_28, %add3A_29, %rem3A_21 : i32
    %mul3A_31 = arith.constant 512 : i32
    %mul3A_32 = arith.muli %select_n3A_30, %mul3A_31 : i32
    "tpu.region"() ({
      %run_scoped3A = tpu.sem_alloc : memref<!tpu.dma_semaphore, #tpu.memory_space<semaphore_mem>>
      %dma_start3A_415 = tpu.memref_slice %arg2[%select_n3A, %mul3A_32] : memref<4x4096xi32, #tpu.memory_space<hbm>> -> memref<1x512xi32, #tpu.memory_space<hbm>>
      %dma_start3A_416 = tpu.memref_squeeze %dma_start3A_415 : memref<1x512xi32, #tpu.memory_space<hbm>> -> memref<512xi32, #tpu.memory_space<hbm>>
      %dma_start3A_417 = tpu.memref_slice %arg2[%select_n3A, %mul3A_32] : memref<4x4096xi32, #tpu.memory_space<hbm>> -> memref<1x512xi32, #tpu.memory_space<hbm>>
      %dma_start3A_418 = tpu.memref_squeeze %dma_start3A_417 : memref<1x512xi32, #tpu.memory_space<hbm>> -> memref<512xi32, #tpu.memory_space<hbm>>
      tpu.enqueue_dma source(%dma_start3A_418 : memref<512xi32, #tpu.memory_space<hbm>>) target(%arg5 : memref<512xi32, #tpu.memory_space<vmem>>) target_semaphore(%run_scoped3A : memref<!tpu.dma_semaphore, #tpu.memory_space<semaphore_mem>>)
      %dma_wait3A_419 = tpu.memref_slice %arg2[%select_n3A, %mul3A_32] : memref<4x4096xi32, #tpu.memory_space<hbm>> -> memref<1x512xi32, #tpu.memory_space<hbm>>
      %dma_wait3A_420 = tpu.memref_squeeze %dma_wait3A_419 : memref<1x512xi32, #tpu.memory_space<hbm>> -> memref<512xi32, #tpu.memory_space<hbm>>
      %dma_wait3A_421 = tpu.memref_slice %arg2[%select_n3A, %mul3A_32] : memref<4x4096xi32, #tpu.memory_space<hbm>> -> memref<1x512xi32, #tpu.memory_space<hbm>>
      %dma_wait3A_422 = tpu.memref_squeeze %dma_wait3A_421 : memref<1x512xi32, #tpu.memory_space<hbm>> -> memref<512xi32, #tpu.memory_space<hbm>>
      tpu.wait_dma2 semaphore(%run_scoped3A : memref<!tpu.dma_semaphore, #tpu.memory_space<semaphore_mem>>) src(%dma_wait3A_422 : memref<512xi32, #tpu.memory_space<hbm>>) dst(%arg5 : memref<512xi32, #tpu.memory_space<vmem>>)
      tpu.yield
    }) : () -> ()
    %dma_start3A = arith.constant 0 : i32
    %dma_start3A_33 = tpu.memref_slice %arg5[%dma_start3A] : memref<512xi32, #tpu.memory_space<vmem>> -> memref<32xi32, #tpu.memory_space<vmem>>
    %dma_start3A_34 = arith.constant 0 : i32
    %dma_start3A_35 = arith.constant 0 : i32
    %dma_start3A_36 = tpu.memref_slice %arg3[%dma_start3A_34, %dma_start3A_35] : memref<8192x1024xf32, #tpu.memory_space<hbm>> -> memref<8192x1024xf32, #tpu.memory_space<hbm>>
    tpu.enqueue_indirect_dma source(%dma_start3A_36 : memref<8192x1024xf32, #tpu.memory_space<hbm>>) target(%arg6 : memref<32x1024xf32, #tpu.memory_space<vmem>>) offsets(%dma_start3A_33 : memref<32xi32, #tpu.memory_space<vmem>>) semaphore(%arg9 : memref<!tpu.dma_semaphore, #tpu.memory_space<semaphore_mem>>)
    %dma_start3A_37 = arith.constant 32 : i32
    %dma_start3A_38 = tpu.memref_slice %arg5[%dma_start3A_37] : memref<512xi32, #tpu.memory_space<vmem>> -> memref<32xi32, #tpu.memory_space<vmem>>
    %dma_start3A_39 = arith.constant 0 : i32
    %dma_start3A_40 = arith.constant 0 : i32
    %dma_start3A_41 = tpu.memref_slice %arg3[%dma_start3A_39, %dma_start3A_40] : memref<8192x1024xf32, #tpu.memory_space<hbm>> -> memref<8192x1024xf32, #tpu.memory_space<hbm>>
    tpu.enqueue_indirect_dma source(%dma_start3A_41 : memref<8192x1024xf32, #tpu.memory_space<hbm>>) target(%arg7 : memref<32x1024xf32, #tpu.memory_space<vmem>>) offsets(%dma_start3A_38 : memref<32xi32, #tpu.memory_space<vmem>>) semaphore(%arg9 : memref<!tpu.dma_semaphore, #tpu.memory_space<semaphore_mem>>)
    %dma_wait3A = arith.constant 0 : i32
    %dma_wait3A_42 = tpu.memref_slice %arg5[%dma_wait3A] : memref<512xi32, #tpu.memory_space<vmem>> -> memref<32xi32, #tpu.memory_space<vmem>>
    %dma_wait3A_43 = arith.constant 0 : i32
    %dma_wait3A_44 = arith.constant 0 : i32
    %dma_wait3A_45 = tpu.memref_slice %arg3[%dma_wait3A_43, %dma_wait3A_44] : memref<8192x1024xf32, #tpu.memory_space<hbm>> -> memref<8192x1024xf32, #tpu.memory_space<hbm>>
    tpu.wait_indirect_dma semaphore(%arg9 : memref<!tpu.dma_semaphore, #tpu.memory_space<semaphore_mem>>) src(%dma_wait3A_45 : memref<8192x1024xf32, #tpu.memory_space<hbm>>) dst(%arg6 : memref<32x1024xf32, #tpu.memory_space<vmem>>)
    %dma_start3A_46 = arith.constant 64 : i32
    %dma_start3A_47 = tpu.memref_slice %arg5[%dma_start3A_46] : memref<512xi32, #tpu.memory_space<vmem>> -> memref<32xi32, #tpu.memory_space<vmem>>
    %dma_start3A_48 = arith.constant 0 : i32
    %dma_start3A_49 = arith.constant 0 : i32
    %dma_start3A_50 = tpu.memref_slice %arg3[%dma_start3A_48, %dma_start3A_49] : memref<8192x1024xf32, #tpu.memory_space<hbm>> -> memref<8192x1024xf32, #tpu.memory_space<hbm>>
    tpu.enqueue_indirect_dma source(%dma_start3A_50 : memref<8192x1024xf32, #tpu.memory_space<hbm>>) target(%arg8 : memref<32x1024xf32, #tpu.memory_space<vmem>>) offsets(%dma_start3A_47 : memref<32xi32, #tpu.memory_space<vmem>>) semaphore(%arg9 : memref<!tpu.dma_semaphore, #tpu.memory_space<semaphore_mem>>)
    %add3A_51 = arith.constant 0 : i32
    %add3A_52 = arith.addi %mul3A_32, %add3A_51 : i32
    %dma_start3A_53 = arith.constant 0 : i32
    %dma_start3A_54 = tpu.memref_slice %arg4[%select_n3A, %add3A_52, %dma_start3A_53] : memref<4x4096x1024xf32, #tpu.memory_space<hbm>> -> memref<1x32x1024xf32, #tpu.memory_space<hbm>>
    %dma_start3A_55 = tpu.memref_squeeze %dma_start3A_54 : memref<1x32x1024xf32, #tpu.memory_space<hbm>> -> memref<32x1024xf32, #tpu.memory_space<hbm>>
    %dma_start3A_56 = arith.constant 0 : i32
    %dma_start3A_57 = tpu.memref_slice %arg4[%select_n3A, %add3A_52, %dma_start3A_56] : memref<4x4096x1024xf32, #tpu.memory_space<hbm>> -> memref<1x32x1024xf32, #tpu.memory_space<hbm>>
    %dma_start3A_58 = tpu.memref_squeeze %dma_start3A_57 : memref<1x32x1024xf32, #tpu.memory_space<hbm>> -> memref<32x1024xf32, #tpu.memory_space<hbm>>
    tpu.enqueue_dma source(%arg6 : memref<32x1024xf32, #tpu.memory_space<vmem>>) target(%dma_start3A_58 : memref<32x1024xf32, #tpu.memory_space<hbm>>) target_semaphore(%arg10 : memref<!tpu.dma_semaphore, #tpu.memory_space<semaphore_mem>>)
    %dma_wait3A_59 = arith.constant 32 : i32
    %dma_wait3A_60 = tpu.memref_slice %arg5[%dma_wait3A_59] : memref<512xi32, #tpu.memory_space<vmem>> -> memref<32xi32, #tpu.memory_space<vmem>>
    %dma_wait3A_61 = arith.constant 0 : i32
    %dma_wait3A_62 = arith.constant 0 : i32
    %dma_wait3A_63 = tpu.memref_slice %arg3[%dma_wait3A_61, %dma_wait3A_62] : memref<8192x1024xf32, #tpu.memory_space<hbm>> -> memref<8192x1024xf32, #tpu.memory_space<hbm>>
    tpu.wait_indirect_dma semaphore(%arg9 : memref<!tpu.dma_semaphore, #tpu.memory_space<semaphore_mem>>) src(%dma_wait3A_63 : memref<8192x1024xf32, #tpu.memory_space<hbm>>) dst(%arg7 : memref<32x1024xf32, #tpu.memory_space<vmem>>)
    %dma_wait3A_64 = arith.constant 0 : i32
    %dma_wait3A_65 = tpu.memref_slice %arg4[%select_n3A, %add3A_52, %dma_wait3A_64] : memref<4x4096x1024xf32, #tpu.memory_space<hbm>> -> memref<1x32x1024xf32, #tpu.memory_space<hbm>>
    %dma_wait3A_66 = tpu.memref_squeeze %dma_wait3A_65 : memref<1x32x1024xf32, #tpu.memory_space<hbm>> -> memref<32x1024xf32, #tpu.memory_space<hbm>>
    %dma_wait3A_67 = arith.constant 0 : i32
    %dma_wait3A_68 = tpu.memref_slice %arg4[%select_n3A, %add3A_52, %dma_wait3A_67] : memref<4x4096x1024xf32, #tpu.memory_space<hbm>> -> memref<1x32x1024xf32, #tpu.memory_space<hbm>>
    %dma_wait3A_69 = tpu.memref_squeeze %dma_wait3A_68 : memref<1x32x1024xf32, #tpu.memory_space<hbm>> -> memref<32x1024xf32, #tpu.memory_space<hbm>>
    tpu.wait_dma2 semaphore(%arg10 : memref<!tpu.dma_semaphore, #tpu.memory_space<semaphore_mem>>) src(%arg6 : memref<32x1024xf32, #tpu.memory_space<vmem>>) dst(%dma_wait3A_69 : memref<32x1024xf32, #tpu.memory_space<hbm>>)
    %dma_start3A_70 = arith.constant 96 : i32
    %dma_start3A_71 = tpu.memref_slice %arg5[%dma_start3A_70] : memref<512xi32, #tpu.memory_space<vmem>> -> memref<32xi32, #tpu.memory_space<vmem>>
    %dma_start3A_72 = arith.constant 0 : i32
    %dma_start3A_73 = arith.constant 0 : i32
    %dma_start3A_74 = tpu.memref_slice %arg3[%dma_start3A_72, %dma_start3A_73] : memref<8192x1024xf32, #tpu.memory_space<hbm>> -> memref<8192x1024xf32, #tpu.memory_space<hbm>>
    tpu.enqueue_indirect_dma source(%dma_start3A_74 : memref<8192x1024xf32, #tpu.memory_space<hbm>>) target(%arg6 : memref<32x1024xf32, #tpu.memory_space<vmem>>) offsets(%dma_start3A_71 : memref<32xi32, #tpu.memory_space<vmem>>) semaphore(%arg9 : memref<!tpu.dma_semaphore, #tpu.memory_space<semaphore_mem>>)
    %add3A_75 = arith.constant 32 : i32
    %add3A_76 = arith.addi %mul3A_32, %add3A_75 : i32
    %dma_start3A_77 = arith.constant 0 : i32
    %dma_start3A_78 = tpu.memref_slice %arg4[%select_n3A, %add3A_76, %dma_start3A_77] : memref<4x4096x1024xf32, #tpu.memory_space<hbm>> -> memref<1x32x1024xf32, #tpu.memory_space<hbm>>
    %dma_start3A_79 = tpu.memref_squeeze %dma_start3A_78 : memref<1x32x1024xf32, #tpu.memory_space<hbm>> -> memref<32x1024xf32, #tpu.memory_space<hbm>>
    %dma_start3A_80 = arith.constant 0 : i32
    %dma_start3A_81 = tpu.memref_slice %arg4[%select_n3A, %add3A_76, %dma_start3A_80] : memref<4x4096x1024xf32, #tpu.memory_space<hbm>> -> memref<1x32x1024xf32, #tpu.memory_space<hbm>>
    %dma_start3A_82 = tpu.memref_squeeze %dma_start3A_81 : memref<1x32x1024xf32, #tpu.memory_space<hbm>> -> memref<32x1024xf32, #tpu.memory_space<hbm>>
    tpu.enqueue_dma source(%arg7 : memref<32x1024xf32, #tpu.memory_space<vmem>>) target(%dma_start3A_82 : memref<32x1024xf32, #tpu.memory_space<hbm>>) target_semaphore(%arg10 : memref<!tpu.dma_semaphore, #tpu.memory_space<semaphore_mem>>)
    %dma_wait3A_83 = arith.constant 64 : i32
    %dma_wait3A_84 = tpu.memref_slice %arg5[%dma_wait3A_83] : memref<512xi32, #tpu.memory_space<vmem>> -> memref<32xi32, #tpu.memory_space<vmem>>
    %dma_wait3A_85 = arith.constant 0 : i32
    %dma_wait3A_86 = arith.constant 0 : i32
    %dma_wait3A_87 = tpu.memref_slice %arg3[%dma_wait3A_85, %dma_wait3A_86] : memref<8192x1024xf32, #tpu.memory_space<hbm>> -> memref<8192x1024xf32, #tpu.memory_space<hbm>>
    tpu.wait_indirect_dma semaphore(%arg9 : memref<!tpu.dma_semaphore, #tpu.memory_space<semaphore_mem>>) src(%dma_wait3A_87 : memref<8192x1024xf32, #tpu.memory_space<hbm>>) dst(%arg8 : memref<32x1024xf32, #tpu.memory_space<vmem>>)
    %dma_wait3A_88 = arith.constant 0 : i32
    %dma_wait3A_89 = tpu.memref_slice %arg4[%select_n3A, %add3A_76, %dma_wait3A_88] : memref<4x4096x1024xf32, #tpu.memory_space<hbm>> -> memref<1x32x1024xf32, #tpu.memory_space<hbm>>
    %dma_wait3A_90 = tpu.memref_squeeze %dma_wait3A_89 : memref<1x32x1024xf32, #tpu.memory_space<hbm>> -> memref<32x1024xf32, #tpu.memory_space<hbm>>
    %dma_wait3A_91 = arith.constant 0 : i32
    %dma_wait3A_92 = tpu.memref_slice %arg4[%select_n3A, %add3A_76, %dma_wait3A_91] : memref<4x4096x1024xf32, #tpu.memory_space<hbm>> -> memref<1x32x1024xf32, #tpu.memory_space<hbm>>
    %dma_wait3A_93 = tpu.memref_squeeze %dma_wait3A_92 : memref<1x32x1024xf32, #tpu.memory_space<hbm>> -> memref<32x1024xf32, #tpu.memory_space<hbm>>
    tpu.wait_dma2 semaphore(%arg10 : memref<!tpu.dma_semaphore, #tpu.memory_space<semaphore_mem>>) src(%arg7 : memref<32x1024xf32, #tpu.memory_space<vmem>>) dst(%dma_wait3A_93 : memref<32x1024xf32, #tpu.memory_space<hbm>>)
    %dma_start3A_94 = arith.constant 128 : i32
    %dma_start3A_95 = tpu.memref_slice %arg5[%dma_start3A_94] : memref<512xi32, #tpu.memory_space<vmem>> -> memref<32xi32, #tpu.memory_space<vmem>>
    %dma_start3A_96 = arith.constant 0 : i32
    %dma_start3A_97 = arith.constant 0 : i32
    %dma_start3A_98 = tpu.memref_slice %arg3[%dma_start3A_96, %dma_start3A_97] : memref<8192x1024xf32, #tpu.memory_space<hbm>> -> memref<8192x1024xf32, #tpu.memory_space<hbm>>
    tpu.enqueue_indirect_dma source(%dma_start3A_98 : memref<8192x1024xf32, #tpu.memory_space<hbm>>) target(%arg7 : memref<32x1024xf32, #tpu.memory_space<vmem>>) offsets(%dma_start3A_95 : memref<32xi32, #tpu.memory_space<vmem>>) semaphore(%arg9 : memref<!tpu.dma_semaphore, #tpu.memory_space<semaphore_mem>>)
    %add3A_99 = arith.constant 64 : i32
    %add3A_100 = arith.addi %mul3A_32, %add3A_99 : i32
    %dma_start3A_101 = arith.constant 0 : i32
    %dma_start3A_102 = tpu.memref_slice %arg4[%select_n3A, %add3A_100, %dma_start3A_101] : memref<4x4096x1024xf32, #tpu.memory_space<hbm>> -> memref<1x32x1024xf32, #tpu.memory_space<hbm>>
    %dma_start3A_103 = tpu.memref_squeeze %dma_start3A_102 : memref<1x32x1024xf32, #tpu.memory_space<hbm>> -> memref<32x1024xf32, #tpu.memory_space<hbm>>
    %dma_start3A_104 = arith.constant 0 : i32
    %dma_start3A_105 = tpu.memref_slice %arg4[%select_n3A, %add3A_100, %dma_start3A_104] : memref<4x4096x1024xf32, #tpu.memory_space<hbm>> -> memref<1x32x1024xf32, #tpu.memory_space<hbm>>
    %dma_start3A_106 = tpu.memref_squeeze %dma_start3A_105 : memref<1x32x1024xf32, #tpu.memory_space<hbm>> -> memref<32x1024xf32, #tpu.memory_space<hbm>>
    tpu.enqueue_dma source(%arg8 : memref<32x1024xf32, #tpu.memory_space<vmem>>) target(%dma_start3A_106 : memref<32x1024xf32, #tpu.memory_space<hbm>>) target_semaphore(%arg10 : memref<!tpu.dma_semaphore, #tpu.memory_space<semaphore_mem>>)
    %dma_wait3A_107 = arith.constant 96 : i32
    %dma_wait3A_108 = tpu.memref_slice %arg5[%dma_wait3A_107] : memref<512xi32, #tpu.memory_space<vmem>> -> memref<32xi32, #tpu.memory_space<vmem>>
    %dma_wait3A_109 = arith.constant 0 : i32
    %dma_wait3A_110 = arith.constant 0 : i32
    %dma_wait3A_111 = tpu.memref_slice %arg3[%dma_wait3A_109, %dma_wait3A_110] : memref<8192x1024xf32, #tpu.memory_space<hbm>> -> memref<8192x1024xf32, #tpu.memory_space<hbm>>
    tpu.wait_indirect_dma semaphore(%arg9 : memref<!tpu.dma_semaphore, #tpu.memory_space<semaphore_mem>>) src(%dma_wait3A_111 : memref<8192x1024xf32, #tpu.memory_space<hbm>>) dst(%arg6 : memref<32x1024xf32, #tpu.memory_space<vmem>>)
    %dma_wait3A_112 = arith.constant 0 : i32
    %dma_wait3A_113 = tpu.memref_slice %arg4[%select_n3A, %add3A_100, %dma_wait3A_112] : memref<4x4096x1024xf32, #tpu.memory_space<hbm>> -> memref<1x32x1024xf32, #tpu.memory_space<hbm>>
    %dma_wait3A_114 = tpu.memref_squeeze %dma_wait3A_113 : memref<1x32x1024xf32, #tpu.memory_space<hbm>> -> memref<32x1024xf32, #tpu.memory_space<hbm>>
    %dma_wait3A_115 = arith.constant 0 : i32
    %dma_wait3A_116 = tpu.memref_slice %arg4[%select_n3A, %add3A_100, %dma_wait3A_115] : memref<4x4096x1024xf32, #tpu.memory_space<hbm>> -> memref<1x32x1024xf32, #tpu.memory_space<hbm>>
    %dma_wait3A_117 = tpu.memref_squeeze %dma_wait3A_116 : memref<1x32x1024xf32, #tpu.memory_space<hbm>> -> memref<32x1024xf32, #tpu.memory_space<hbm>>
    tpu.wait_dma2 semaphore(%arg10 : memref<!tpu.dma_semaphore, #tpu.memory_space<semaphore_mem>>) src(%arg8 : memref<32x1024xf32, #tpu.memory_space<vmem>>) dst(%dma_wait3A_117 : memref<32x1024xf32, #tpu.memory_space<hbm>>)
    %dma_start3A_118 = arith.constant 160 : i32
    %dma_start3A_119 = tpu.memref_slice %arg5[%dma_start3A_118] : memref<512xi32, #tpu.memory_space<vmem>> -> memref<32xi32, #tpu.memory_space<vmem>>
    %dma_start3A_120 = arith.constant 0 : i32
    %dma_start3A_121 = arith.constant 0 : i32
    %dma_start3A_122 = tpu.memref_slice %arg3[%dma_start3A_120, %dma_start3A_121] : memref<8192x1024xf32, #tpu.memory_space<hbm>> -> memref<8192x1024xf32, #tpu.memory_space<hbm>>
    tpu.enqueue_indirect_dma source(%dma_start3A_122 : memref<8192x1024xf32, #tpu.memory_space<hbm>>) target(%arg8 : memref<32x1024xf32, #tpu.memory_space<vmem>>) offsets(%dma_start3A_119 : memref<32xi32, #tpu.memory_space<vmem>>) semaphore(%arg9 : memref<!tpu.dma_semaphore, #tpu.memory_space<semaphore_mem>>)
    %add3A_123 = arith.constant 96 : i32
    %add3A_124 = arith.addi %mul3A_32, %add3A_123 : i32
    %dma_start3A_125 = arith.constant 0 : i32
    %dma_start3A_126 = tpu.memref_slice %arg4[%select_n3A, %add3A_124, %dma_start3A_125] : memref<4x4096x1024xf32, #tpu.memory_space<hbm>> -> memref<1x32x1024xf32, #tpu.memory_space<hbm>>
    %dma_start3A_127 = tpu.memref_squeeze %dma_start3A_126 : memref<1x32x1024xf32, #tpu.memory_space<hbm>> -> memref<32x1024xf32, #tpu.memory_space<hbm>>
    %dma_start3A_128 = arith.constant 0 : i32
    %dma_start3A_129 = tpu.memref_slice %arg4[%select_n3A, %add3A_124, %dma_start3A_128] : memref<4x4096x1024xf32, #tpu.memory_space<hbm>> -> memref<1x32x1024xf32, #tpu.memory_space<hbm>>
    %dma_start3A_130 = tpu.memref_squeeze %dma_start3A_129 : memref<1x32x1024xf32, #tpu.memory_space<hbm>> -> memref<32x1024xf32, #tpu.memory_space<hbm>>
    tpu.enqueue_dma source(%arg6 : memref<32x1024xf32, #tpu.memory_space<vmem>>) target(%dma_start3A_130 : memref<32x1024xf32, #tpu.memory_space<hbm>>) target_semaphore(%arg10 : memref<!tpu.dma_semaphore, #tpu.memory_space<semaphore_mem>>)
    %dma_wait3A_131 = arith.constant 128 : i32
    %dma_wait3A_132 = tpu.memref_slice %arg5[%dma_wait3A_131] : memref<512xi32, #tpu.memory_space<vmem>> -> memref<32xi32, #tpu.memory_space<vmem>>
    %dma_wait3A_133 = arith.constant 0 : i32
    %dma_wait3A_134 = arith.constant 0 : i32
    %dma_wait3A_135 = tpu.memref_slice %arg3[%dma_wait3A_133, %dma_wait3A_134] : memref<8192x1024xf32, #tpu.memory_space<hbm>> -> memref<8192x1024xf32, #tpu.memory_space<hbm>>
    tpu.wait_indirect_dma semaphore(%arg9 : memref<!tpu.dma_semaphore, #tpu.memory_space<semaphore_mem>>) src(%dma_wait3A_135 : memref<8192x1024xf32, #tpu.memory_space<hbm>>) dst(%arg7 : memref<32x1024xf32, #tpu.memory_space<vmem>>)
    %dma_wait3A_136 = arith.constant 0 : i32
    %dma_wait3A_137 = tpu.memref_slice %arg4[%select_n3A, %add3A_124, %dma_wait3A_136] : memref<4x4096x1024xf32, #tpu.memory_space<hbm>> -> memref<1x32x1024xf32, #tpu.memory_space<hbm>>
    %dma_wait3A_138 = tpu.memref_squeeze %dma_wait3A_137 : memref<1x32x1024xf32, #tpu.memory_space<hbm>> -> memref<32x1024xf32, #tpu.memory_space<hbm>>
    %dma_wait3A_139 = arith.constant 0 : i32
    %dma_wait3A_140 = tpu.memref_slice %arg4[%select_n3A, %add3A_124, %dma_wait3A_139] : memref<4x4096x1024xf32, #tpu.memory_space<hbm>> -> memref<1x32x1024xf32, #tpu.memory_space<hbm>>
    %dma_wait3A_141 = tpu.memref_squeeze %dma_wait3A_140 : memref<1x32x1024xf32, #tpu.memory_space<hbm>> -> memref<32x1024xf32, #tpu.memory_space<hbm>>
    tpu.wait_dma2 semaphore(%arg10 : memref<!tpu.dma_semaphore, #tpu.memory_space<semaphore_mem>>) src(%arg6 : memref<32x1024xf32, #tpu.memory_space<vmem>>) dst(%dma_wait3A_141 : memref<32x1024xf32, #tpu.memory_space<hbm>>)
    %dma_start3A_142 = arith.constant 192 : i32
    %dma_start3A_143 = tpu.memref_slice %arg5[%dma_start3A_142] : memref<512xi32, #tpu.memory_space<vmem>> -> memref<32xi32, #tpu.memory_space<vmem>>
    %dma_start3A_144 = arith.constant 0 : i32
    %dma_start3A_145 = arith.constant 0 : i32
    %dma_start3A_146 = tpu.memref_slice %arg3[%dma_start3A_144, %dma_start3A_145] : memref<8192x1024xf32, #tpu.memory_space<hbm>> -> memref<8192x1024xf32, #tpu.memory_space<hbm>>
    tpu.enqueue_indirect_dma source(%dma_start3A_146 : memref<8192x1024xf32, #tpu.memory_space<hbm>>) target(%arg6 : memref<32x1024xf32, #tpu.memory_space<vmem>>) offsets(%dma_start3A_143 : memref<32xi32, #tpu.memory_space<vmem>>) semaphore(%arg9 : memref<!tpu.dma_semaphore, #tpu.memory_space<semaphore_mem>>)
    %add3A_147 = arith.constant 128 : i32
    %add3A_148 = arith.addi %mul3A_32, %add3A_147 : i32
    %dma_start3A_149 = arith.constant 0 : i32
    %dma_start3A_150 = tpu.memref_slice %arg4[%select_n3A, %add3A_148, %dma_start3A_149] : memref<4x4096x1024xf32, #tpu.memory_space<hbm>> -> memref<1x32x1024xf32, #tpu.memory_space<hbm>>
    %dma_start3A_151 = tpu.memref_squeeze %dma_start3A_150 : memref<1x32x1024xf32, #tpu.memory_space<hbm>> -> memref<32x1024xf32, #tpu.memory_space<hbm>>
    %dma_start3A_152 = arith.constant 0 : i32
    %dma_start3A_153 = tpu.memref_slice %arg4[%select_n3A, %add3A_148, %dma_start3A_152] : memref<4x4096x1024xf32, #tpu.memory_space<hbm>> -> memref<1x32x1024xf32, #tpu.memory_space<hbm>>
    %dma_start3A_154 = tpu.memref_squeeze %dma_start3A_153 : memref<1x32x1024xf32, #tpu.memory_space<hbm>> -> memref<32x1024xf32, #tpu.memory_space<hbm>>
    tpu.enqueue_dma source(%arg7 : memref<32x1024xf32, #tpu.memory_space<vmem>>) target(%dma_start3A_154 : memref<32x1024xf32, #tpu.memory_space<hbm>>) target_semaphore(%arg10 : memref<!tpu.dma_semaphore, #tpu.memory_space<semaphore_mem>>)
    %dma_wait3A_155 = arith.constant 160 : i32
    %dma_wait3A_156 = tpu.memref_slice %arg5[%dma_wait3A_155] : memref<512xi32, #tpu.memory_space<vmem>> -> memref<32xi32, #tpu.memory_space<vmem>>
    %dma_wait3A_157 = arith.constant 0 : i32
    %dma_wait3A_158 = arith.constant 0 : i32
    %dma_wait3A_159 = tpu.memref_slice %arg3[%dma_wait3A_157, %dma_wait3A_158] : memref<8192x1024xf32, #tpu.memory_space<hbm>> -> memref<8192x1024xf32, #tpu.memory_space<hbm>>
    tpu.wait_indirect_dma semaphore(%arg9 : memref<!tpu.dma_semaphore, #tpu.memory_space<semaphore_mem>>) src(%dma_wait3A_159 : memref<8192x1024xf32, #tpu.memory_space<hbm>>) dst(%arg8 : memref<32x1024xf32, #tpu.memory_space<vmem>>)
    %dma_wait3A_160 = arith.constant 0 : i32
    %dma_wait3A_161 = tpu.memref_slice %arg4[%select_n3A, %add3A_148, %dma_wait3A_160] : memref<4x4096x1024xf32, #tpu.memory_space<hbm>> -> memref<1x32x1024xf32, #tpu.memory_space<hbm>>
    %dma_wait3A_162 = tpu.memref_squeeze %dma_wait3A_161 : memref<1x32x1024xf32, #tpu.memory_space<hbm>> -> memref<32x1024xf32, #tpu.memory_space<hbm>>
    %dma_wait3A_163 = arith.constant 0 : i32
    %dma_wait3A_164 = tpu.memref_slice %arg4[%select_n3A, %add3A_148, %dma_wait3A_163] : memref<4x4096x1024xf32, #tpu.memory_space<hbm>> -> memref<1x32x1024xf32, #tpu.memory_space<hbm>>
    %dma_wait3A_165 = tpu.memref_squeeze %dma_wait3A_164 : memref<1x32x1024xf32, #tpu.memory_space<hbm>> -> memref<32x1024xf32, #tpu.memory_space<hbm>>
    tpu.wait_dma2 semaphore(%arg10 : memref<!tpu.dma_semaphore, #tpu.memory_space<semaphore_mem>>) src(%arg7 : memref<32x1024xf32, #tpu.memory_space<vmem>>) dst(%dma_wait3A_165 : memref<32x1024xf32, #tpu.memory_space<hbm>>)
    %dma_start3A_166 = arith.constant 224 : i32
    %dma_start3A_167 = tpu.memref_slice %arg5[%dma_start3A_166] : memref<512xi32, #tpu.memory_space<vmem>> -> memref<32xi32, #tpu.memory_space<vmem>>
    %dma_start3A_168 = arith.constant 0 : i32
    %dma_start3A_169 = arith.constant 0 : i32
    %dma_start3A_170 = tpu.memref_slice %arg3[%dma_start3A_168, %dma_start3A_169] : memref<8192x1024xf32, #tpu.memory_space<hbm>> -> memref<8192x1024xf32, #tpu.memory_space<hbm>>
    tpu.enqueue_indirect_dma source(%dma_start3A_170 : memref<8192x1024xf32, #tpu.memory_space<hbm>>) target(%arg7 : memref<32x1024xf32, #tpu.memory_space<vmem>>) offsets(%dma_start3A_167 : memref<32xi32, #tpu.memory_space<vmem>>) semaphore(%arg9 : memref<!tpu.dma_semaphore, #tpu.memory_space<semaphore_mem>>)
    %add3A_171 = arith.constant 160 : i32
    %add3A_172 = arith.addi %mul3A_32, %add3A_171 : i32
    %dma_start3A_173 = arith.constant 0 : i32
    %dma_start3A_174 = tpu.memref_slice %arg4[%select_n3A, %add3A_172, %dma_start3A_173] : memref<4x4096x1024xf32, #tpu.memory_space<hbm>> -> memref<1x32x1024xf32, #tpu.memory_space<hbm>>
    %dma_start3A_175 = tpu.memref_squeeze %dma_start3A_174 : memref<1x32x1024xf32, #tpu.memory_space<hbm>> -> memref<32x1024xf32, #tpu.memory_space<hbm>>
    %dma_start3A_176 = arith.constant 0 : i32
    %dma_start3A_177 = tpu.memref_slice %arg4[%select_n3A, %add3A_172, %dma_start3A_176] : memref<4x4096x1024xf32, #tpu.memory_space<hbm>> -> memref<1x32x1024xf32, #tpu.memory_space<hbm>>
    %dma_start3A_178 = tpu.memref_squeeze %dma_start3A_177 : memref<1x32x1024xf32, #tpu.memory_space<hbm>> -> memref<32x1024xf32, #tpu.memory_space<hbm>>
    tpu.enqueue_dma source(%arg8 : memref<32x1024xf32, #tpu.memory_space<vmem>>) target(%dma_start3A_178 : memref<32x1024xf32, #tpu.memory_space<hbm>>) target_semaphore(%arg10 : memref<!tpu.dma_semaphore, #tpu.memory_space<semaphore_mem>>)
    %dma_wait3A_179 = arith.constant 192 : i32
    %dma_wait3A_180 = tpu.memref_slice %arg5[%dma_wait3A_179] : memref<512xi32, #tpu.memory_space<vmem>> -> memref<32xi32, #tpu.memory_space<vmem>>
    %dma_wait3A_181 = arith.constant 0 : i32
    %dma_wait3A_182 = arith.constant 0 : i32
    %dma_wait3A_183 = tpu.memref_slice %arg3[%dma_wait3A_181, %dma_wait3A_182] : memref<8192x1024xf32, #tpu.memory_space<hbm>> -> memref<8192x1024xf32, #tpu.memory_space<hbm>>
    tpu.wait_indirect_dma semaphore(%arg9 : memref<!tpu.dma_semaphore, #tpu.memory_space<semaphore_mem>>) src(%dma_wait3A_183 : memref<8192x1024xf32, #tpu.memory_space<hbm>>) dst(%arg6 : memref<32x1024xf32, #tpu.memory_space<vmem>>)
    %dma_wait3A_184 = arith.constant 0 : i32
    %dma_wait3A_185 = tpu.memref_slice %arg4[%select_n3A, %add3A_172, %dma_wait3A_184] : memref<4x4096x1024xf32, #tpu.memory_space<hbm>> -> memref<1x32x1024xf32, #tpu.memory_space<hbm>>
    %dma_wait3A_186 = tpu.memref_squeeze %dma_wait3A_185 : memref<1x32x1024xf32, #tpu.memory_space<hbm>> -> memref<32x1024xf32, #tpu.memory_space<hbm>>
    %dma_wait3A_187 = arith.constant 0 : i32
    %dma_wait3A_188 = tpu.memref_slice %arg4[%select_n3A, %add3A_172, %dma_wait3A_187] : memref<4x4096x1024xf32, #tpu.memory_space<hbm>> -> memref<1x32x1024xf32, #tpu.memory_space<hbm>>
    %dma_wait3A_189 = tpu.memref_squeeze %dma_wait3A_188 : memref<1x32x1024xf32, #tpu.memory_space<hbm>> -> memref<32x1024xf32, #tpu.memory_space<hbm>>
    tpu.wait_dma2 semaphore(%arg10 : memref<!tpu.dma_semaphore, #tpu.memory_space<semaphore_mem>>) src(%arg8 : memref<32x1024xf32, #tpu.memory_space<vmem>>) dst(%dma_wait3A_189 : memref<32x1024xf32, #tpu.memory_space<hbm>>)
    %dma_start3A_190 = arith.constant 256 : i32
    %dma_start3A_191 = tpu.memref_slice %arg5[%dma_start3A_190] : memref<512xi32, #tpu.memory_space<vmem>> -> memref<32xi32, #tpu.memory_space<vmem>>
    %dma_start3A_192 = arith.constant 0 : i32
    %dma_start3A_193 = arith.constant 0 : i32
    %dma_start3A_194 = tpu.memref_slice %arg3[%dma_start3A_192, %dma_start3A_193] : memref<8192x1024xf32, #tpu.memory_space<hbm>> -> memref<8192x1024xf32, #tpu.memory_space<hbm>>
    tpu.enqueue_indirect_dma source(%dma_start3A_194 : memref<8192x1024xf32, #tpu.memory_space<hbm>>) target(%arg8 : memref<32x1024xf32, #tpu.memory_space<vmem>>) offsets(%dma_start3A_191 : memref<32xi32, #tpu.memory_space<vmem>>) semaphore(%arg9 : memref<!tpu.dma_semaphore, #tpu.memory_space<semaphore_mem>>)
    %add3A_195 = arith.constant 192 : i32
    %add3A_196 = arith.addi %mul3A_32, %add3A_195 : i32
    %dma_start3A_197 = arith.constant 0 : i32
    %dma_start3A_198 = tpu.memref_slice %arg4[%select_n3A, %add3A_196, %dma_start3A_197] : memref<4x4096x1024xf32, #tpu.memory_space<hbm>> -> memref<1x32x1024xf32, #tpu.memory_space<hbm>>
    %dma_start3A_199 = tpu.memref_squeeze %dma_start3A_198 : memref<1x32x1024xf32, #tpu.memory_space<hbm>> -> memref<32x1024xf32, #tpu.memory_space<hbm>>
    %dma_start3A_200 = arith.constant 0 : i32
    %dma_start3A_201 = tpu.memref_slice %arg4[%select_n3A, %add3A_196, %dma_start3A_200] : memref<4x4096x1024xf32, #tpu.memory_space<hbm>> -> memref<1x32x1024xf32, #tpu.memory_space<hbm>>
    %dma_start3A_202 = tpu.memref_squeeze %dma_start3A_201 : memref<1x32x1024xf32, #tpu.memory_space<hbm>> -> memref<32x1024xf32, #tpu.memory_space<hbm>>
    tpu.enqueue_dma source(%arg6 : memref<32x1024xf32, #tpu.memory_space<vmem>>) target(%dma_start3A_202 : memref<32x1024xf32, #tpu.memory_space<hbm>>) target_semaphore(%arg10 : memref<!tpu.dma_semaphore, #tpu.memory_space<semaphore_mem>>)
    %dma_wait3A_203 = arith.constant 224 : i32
    %dma_wait3A_204 = tpu.memref_slice %arg5[%dma_wait3A_203] : memref<512xi32, #tpu.memory_space<vmem>> -> memref<32xi32, #tpu.memory_space<vmem>>
    %dma_wait3A_205 = arith.constant 0 : i32
    %dma_wait3A_206 = arith.constant 0 : i32
    %dma_wait3A_207 = tpu.memref_slice %arg3[%dma_wait3A_205, %dma_wait3A_206] : memref<8192x1024xf32, #tpu.memory_space<hbm>> -> memref<8192x1024xf32, #tpu.memory_space<hbm>>
    tpu.wait_indirect_dma semaphore(%arg9 : memref<!tpu.dma_semaphore, #tpu.memory_space<semaphore_mem>>) src(%dma_wait3A_207 : memref<8192x1024xf32, #tpu.memory_space<hbm>>) dst(%arg7 : memref<32x1024xf32, #tpu.memory_space<vmem>>)
    %dma_wait3A_208 = arith.constant 0 : i32
    %dma_wait3A_209 = tpu.memref_slice %arg4[%select_n3A, %add3A_196, %dma_wait3A_208] : memref<4x4096x1024xf32, #tpu.memory_space<hbm>> -> memref<1x32x1024xf32, #tpu.memory_space<hbm>>
    %dma_wait3A_210 = tpu.memref_squeeze %dma_wait3A_209 : memref<1x32x1024xf32, #tpu.memory_space<hbm>> -> memref<32x1024xf32, #tpu.memory_space<hbm>>
    %dma_wait3A_211 = arith.constant 0 : i32
    %dma_wait3A_212 = tpu.memref_slice %arg4[%select_n3A, %add3A_196, %dma_wait3A_211] : memref<4x4096x1024xf32, #tpu.memory_space<hbm>> -> memref<1x32x1024xf32, #tpu.memory_space<hbm>>
    %dma_wait3A_213 = tpu.memref_squeeze %dma_wait3A_212 : memref<1x32x1024xf32, #tpu.memory_space<hbm>> -> memref<32x1024xf32, #tpu.memory_space<hbm>>
    tpu.wait_dma2 semaphore(%arg10 : memref<!tpu.dma_semaphore, #tpu.memory_space<semaphore_mem>>) src(%arg6 : memref<32x1024xf32, #tpu.memory_space<vmem>>) dst(%dma_wait3A_213 : memref<32x1024xf32, #tpu.memory_space<hbm>>)
    %dma_start3A_214 = arith.constant 288 : i32
    %dma_start3A_215 = tpu.memref_slice %arg5[%dma_start3A_214] : memref<512xi32, #tpu.memory_space<vmem>> -> memref<32xi32, #tpu.memory_space<vmem>>
    %dma_start3A_216 = arith.constant 0 : i32
    %dma_start3A_217 = arith.constant 0 : i32
    %dma_start3A_218 = tpu.memref_slice %arg3[%dma_start3A_216, %dma_start3A_217] : memref<8192x1024xf32, #tpu.memory_space<hbm>> -> memref<8192x1024xf32, #tpu.memory_space<hbm>>
    tpu.enqueue_indirect_dma source(%dma_start3A_218 : memref<8192x1024xf32, #tpu.memory_space<hbm>>) target(%arg6 : memref<32x1024xf32, #tpu.memory_space<vmem>>) offsets(%dma_start3A_215 : memref<32xi32, #tpu.memory_space<vmem>>) semaphore(%arg9 : memref<!tpu.dma_semaphore, #tpu.memory_space<semaphore_mem>>)
    %add3A_219 = arith.constant 224 : i32
    %add3A_220 = arith.addi %mul3A_32, %add3A_219 : i32
    %dma_start3A_221 = arith.constant 0 : i32
    %dma_start3A_222 = tpu.memref_slice %arg4[%select_n3A, %add3A_220, %dma_start3A_221] : memref<4x4096x1024xf32, #tpu.memory_space<hbm>> -> memref<1x32x1024xf32, #tpu.memory_space<hbm>>
    %dma_start3A_223 = tpu.memref_squeeze %dma_start3A_222 : memref<1x32x1024xf32, #tpu.memory_space<hbm>> -> memref<32x1024xf32, #tpu.memory_space<hbm>>
    %dma_start3A_224 = arith.constant 0 : i32
    %dma_start3A_225 = tpu.memref_slice %arg4[%select_n3A, %add3A_220, %dma_start3A_224] : memref<4x4096x1024xf32, #tpu.memory_space<hbm>> -> memref<1x32x1024xf32, #tpu.memory_space<hbm>>
    %dma_start3A_226 = tpu.memref_squeeze %dma_start3A_225 : memref<1x32x1024xf32, #tpu.memory_space<hbm>> -> memref<32x1024xf32, #tpu.memory_space<hbm>>
    tpu.enqueue_dma source(%arg7 : memref<32x1024xf32, #tpu.memory_space<vmem>>) target(%dma_start3A_226 : memref<32x1024xf32, #tpu.memory_space<hbm>>) target_semaphore(%arg10 : memref<!tpu.dma_semaphore, #tpu.memory_space<semaphore_mem>>)
    %dma_wait3A_227 = arith.constant 256 : i32
    %dma_wait3A_228 = tpu.memref_slice %arg5[%dma_wait3A_227] : memref<512xi32, #tpu.memory_space<vmem>> -> memref<32xi32, #tpu.memory_space<vmem>>
    %dma_wait3A_229 = arith.constant 0 : i32
    %dma_wait3A_230 = arith.constant 0 : i32
    %dma_wait3A_231 = tpu.memref_slice %arg3[%dma_wait3A_229, %dma_wait3A_230] : memref<8192x1024xf32, #tpu.memory_space<hbm>> -> memref<8192x1024xf32, #tpu.memory_space<hbm>>
    tpu.wait_indirect_dma semaphore(%arg9 : memref<!tpu.dma_semaphore, #tpu.memory_space<semaphore_mem>>) src(%dma_wait3A_231 : memref<8192x1024xf32, #tpu.memory_space<hbm>>) dst(%arg8 : memref<32x1024xf32, #tpu.memory_space<vmem>>)
    %dma_wait3A_232 = arith.constant 0 : i32
    %dma_wait3A_233 = tpu.memref_slice %arg4[%select_n3A, %add3A_220, %dma_wait3A_232] : memref<4x4096x1024xf32, #tpu.memory_space<hbm>> -> memref<1x32x1024xf32, #tpu.memory_space<hbm>>
    %dma_wait3A_234 = tpu.memref_squeeze %dma_wait3A_233 : memref<1x32x1024xf32, #tpu.memory_space<hbm>> -> memref<32x1024xf32, #tpu.memory_space<hbm>>
    %dma_wait3A_235 = arith.constant 0 : i32
    %dma_wait3A_236 = tpu.memref_slice %arg4[%select_n3A, %add3A_220, %dma_wait3A_235] : memref<4x4096x1024xf32, #tpu.memory_space<hbm>> -> memref<1x32x1024xf32, #tpu.memory_space<hbm>>
    %dma_wait3A_237 = tpu.memref_squeeze %dma_wait3A_236 : memref<1x32x1024xf32, #tpu.memory_space<hbm>> -> memref<32x1024xf32, #tpu.memory_space<hbm>>
    tpu.wait_dma2 semaphore(%arg10 : memref<!tpu.dma_semaphore, #tpu.memory_space<semaphore_mem>>) src(%arg7 : memref<32x1024xf32, #tpu.memory_space<vmem>>) dst(%dma_wait3A_237 : memref<32x1024xf32, #tpu.memory_space<hbm>>)
    %dma_start3A_238 = arith.constant 320 : i32
    %dma_start3A_239 = tpu.memref_slice %arg5[%dma_start3A_238] : memref<512xi32, #tpu.memory_space<vmem>> -> memref<32xi32, #tpu.memory_space<vmem>>
    %dma_start3A_240 = arith.constant 0 : i32
    %dma_start3A_241 = arith.constant 0 : i32
    %dma_start3A_242 = tpu.memref_slice %arg3[%dma_start3A_240, %dma_start3A_241] : memref<8192x1024xf32, #tpu.memory_space<hbm>> -> memref<8192x1024xf32, #tpu.memory_space<hbm>>
    tpu.enqueue_indirect_dma source(%dma_start3A_242 : memref<8192x1024xf32, #tpu.memory_space<hbm>>) target(%arg7 : memref<32x1024xf32, #tpu.memory_space<vmem>>) offsets(%dma_start3A_239 : memref<32xi32, #tpu.memory_space<vmem>>) semaphore(%arg9 : memref<!tpu.dma_semaphore, #tpu.memory_space<semaphore_mem>>)
    %add3A_243 = arith.constant 256 : i32
    %add3A_244 = arith.addi %mul3A_32, %add3A_243 : i32
    %dma_start3A_245 = arith.constant 0 : i32
    %dma_start3A_246 = tpu.memref_slice %arg4[%select_n3A, %add3A_244, %dma_start3A_245] : memref<4x4096x1024xf32, #tpu.memory_space<hbm>> -> memref<1x32x1024xf32, #tpu.memory_space<hbm>>
    %dma_start3A_247 = tpu.memref_squeeze %dma_start3A_246 : memref<1x32x1024xf32, #tpu.memory_space<hbm>> -> memref<32x1024xf32, #tpu.memory_space<hbm>>
    %dma_start3A_248 = arith.constant 0 : i32
    %dma_start3A_249 = tpu.memref_slice %arg4[%select_n3A, %add3A_244, %dma_start3A_248] : memref<4x4096x1024xf32, #tpu.memory_space<hbm>> -> memref<1x32x1024xf32, #tpu.memory_space<hbm>>
    %dma_start3A_250 = tpu.memref_squeeze %dma_start3A_249 : memref<1x32x1024xf32, #tpu.memory_space<hbm>> -> memref<32x1024xf32, #tpu.memory_space<hbm>>
    tpu.enqueue_dma source(%arg8 : memref<32x1024xf32, #tpu.memory_space<vmem>>) target(%dma_start3A_250 : memref<32x1024xf32, #tpu.memory_space<hbm>>) target_semaphore(%arg10 : memref<!tpu.dma_semaphore, #tpu.memory_space<semaphore_mem>>)
    %dma_wait3A_251 = arith.constant 288 : i32
    %dma_wait3A_252 = tpu.memref_slice %arg5[%dma_wait3A_251] : memref<512xi32, #tpu.memory_space<vmem>> -> memref<32xi32, #tpu.memory_space<vmem>>
    %dma_wait3A_253 = arith.constant 0 : i32
    %dma_wait3A_254 = arith.constant 0 : i32
    %dma_wait3A_255 = tpu.memref_slice %arg3[%dma_wait3A_253, %dma_wait3A_254] : memref<8192x1024xf32, #tpu.memory_space<hbm>> -> memref<8192x1024xf32, #tpu.memory_space<hbm>>
    tpu.wait_indirect_dma semaphore(%arg9 : memref<!tpu.dma_semaphore, #tpu.memory_space<semaphore_mem>>) src(%dma_wait3A_255 : memref<8192x1024xf32, #tpu.memory_space<hbm>>) dst(%arg6 : memref<32x1024xf32, #tpu.memory_space<vmem>>)
    %dma_wait3A_256 = arith.constant 0 : i32
    %dma_wait3A_257 = tpu.memref_slice %arg4[%select_n3A, %add3A_244, %dma_wait3A_256] : memref<4x4096x1024xf32, #tpu.memory_space<hbm>> -> memref<1x32x1024xf32, #tpu.memory_space<hbm>>
    %dma_wait3A_258 = tpu.memref_squeeze %dma_wait3A_257 : memref<1x32x1024xf32, #tpu.memory_space<hbm>> -> memref<32x1024xf32, #tpu.memory_space<hbm>>
    %dma_wait3A_259 = arith.constant 0 : i32
    %dma_wait3A_260 = tpu.memref_slice %arg4[%select_n3A, %add3A_244, %dma_wait3A_259] : memref<4x4096x1024xf32, #tpu.memory_space<hbm>> -> memref<1x32x1024xf32, #tpu.memory_space<hbm>>
    %dma_wait3A_261 = tpu.memref_squeeze %dma_wait3A_260 : memref<1x32x1024xf32, #tpu.memory_space<hbm>> -> memref<32x1024xf32, #tpu.memory_space<hbm>>
    tpu.wait_dma2 semaphore(%arg10 : memref<!tpu.dma_semaphore, #tpu.memory_space<semaphore_mem>>) src(%arg8 : memref<32x1024xf32, #tpu.memory_space<vmem>>) dst(%dma_wait3A_261 : memref<32x1024xf32, #tpu.memory_space<hbm>>)
    %dma_start3A_262 = arith.constant 352 : i32
    %dma_start3A_263 = tpu.memref_slice %arg5[%dma_start3A_262] : memref<512xi32, #tpu.memory_space<vmem>> -> memref<32xi32, #tpu.memory_space<vmem>>
    %dma_start3A_264 = arith.constant 0 : i32
    %dma_start3A_265 = arith.constant 0 : i32
    %dma_start3A_266 = tpu.memref_slice %arg3[%dma_start3A_264, %dma_start3A_265] : memref<8192x1024xf32, #tpu.memory_space<hbm>> -> memref<8192x1024xf32, #tpu.memory_space<hbm>>
    tpu.enqueue_indirect_dma source(%dma_start3A_266 : memref<8192x1024xf32, #tpu.memory_space<hbm>>) target(%arg8 : memref<32x1024xf32, #tpu.memory_space<vmem>>) offsets(%dma_start3A_263 : memref<32xi32, #tpu.memory_space<vmem>>) semaphore(%arg9 : memref<!tpu.dma_semaphore, #tpu.memory_space<semaphore_mem>>)
    %add3A_267 = arith.constant 288 : i32
    %add3A_268 = arith.addi %mul3A_32, %add3A_267 : i32
    %dma_start3A_269 = arith.constant 0 : i32
    %dma_start3A_270 = tpu.memref_slice %arg4[%select_n3A, %add3A_268, %dma_start3A_269] : memref<4x4096x1024xf32, #tpu.memory_space<hbm>> -> memref<1x32x1024xf32, #tpu.memory_space<hbm>>
    %dma_start3A_271 = tpu.memref_squeeze %dma_start3A_270 : memref<1x32x1024xf32, #tpu.memory_space<hbm>> -> memref<32x1024xf32, #tpu.memory_space<hbm>>
    %dma_start3A_272 = arith.constant 0 : i32
    %dma_start3A_273 = tpu.memref_slice %arg4[%select_n3A, %add3A_268, %dma_start3A_272] : memref<4x4096x1024xf32, #tpu.memory_space<hbm>> -> memref<1x32x1024xf32, #tpu.memory_space<hbm>>
    %dma_start3A_274 = tpu.memref_squeeze %dma_start3A_273 : memref<1x32x1024xf32, #tpu.memory_space<hbm>> -> memref<32x1024xf32, #tpu.memory_space<hbm>>
    tpu.enqueue_dma source(%arg6 : memref<32x1024xf32, #tpu.memory_space<vmem>>) target(%dma_start3A_274 : memref<32x1024xf32, #tpu.memory_space<hbm>>) target_semaphore(%arg10 : memref<!tpu.dma_semaphore, #tpu.memory_space<semaphore_mem>>)
    %dma_wait3A_275 = arith.constant 320 : i32
    %dma_wait3A_276 = tpu.memref_slice %arg5[%dma_wait3A_275] : memref<512xi32, #tpu.memory_space<vmem>> -> memref<32xi32, #tpu.memory_space<vmem>>
    %dma_wait3A_277 = arith.constant 0 : i32
    %dma_wait3A_278 = arith.constant 0 : i32
    %dma_wait3A_279 = tpu.memref_slice %arg3[%dma_wait3A_277, %dma_wait3A_278] : memref<8192x1024xf32, #tpu.memory_space<hbm>> -> memref<8192x1024xf32, #tpu.memory_space<hbm>>
    tpu.wait_indirect_dma semaphore(%arg9 : memref<!tpu.dma_semaphore, #tpu.memory_space<semaphore_mem>>) src(%dma_wait3A_279 : memref<8192x1024xf32, #tpu.memory_space<hbm>>) dst(%arg7 : memref<32x1024xf32, #tpu.memory_space<vmem>>)
    %dma_wait3A_280 = arith.constant 0 : i32
    %dma_wait3A_281 = tpu.memref_slice %arg4[%select_n3A, %add3A_268, %dma_wait3A_280] : memref<4x4096x1024xf32, #tpu.memory_space<hbm>> -> memref<1x32x1024xf32, #tpu.memory_space<hbm>>
    %dma_wait3A_282 = tpu.memref_squeeze %dma_wait3A_281 : memref<1x32x1024xf32, #tpu.memory_space<hbm>> -> memref<32x1024xf32, #tpu.memory_space<hbm>>
    %dma_wait3A_283 = arith.constant 0 : i32
    %dma_wait3A_284 = tpu.memref_slice %arg4[%select_n3A, %add3A_268, %dma_wait3A_283] : memref<4x4096x1024xf32, #tpu.memory_space<hbm>> -> memref<1x32x1024xf32, #tpu.memory_space<hbm>>
    %dma_wait3A_285 = tpu.memref_squeeze %dma_wait3A_284 : memref<1x32x1024xf32, #tpu.memory_space<hbm>> -> memref<32x1024xf32, #tpu.memory_space<hbm>>
    tpu.wait_dma2 semaphore(%arg10 : memref<!tpu.dma_semaphore, #tpu.memory_space<semaphore_mem>>) src(%arg6 : memref<32x1024xf32, #tpu.memory_space<vmem>>) dst(%dma_wait3A_285 : memref<32x1024xf32, #tpu.memory_space<hbm>>)
    %dma_start3A_286 = arith.constant 384 : i32
    %dma_start3A_287 = tpu.memref_slice %arg5[%dma_start3A_286] : memref<512xi32, #tpu.memory_space<vmem>> -> memref<32xi32, #tpu.memory_space<vmem>>
    %dma_start3A_288 = arith.constant 0 : i32
    %dma_start3A_289 = arith.constant 0 : i32
    %dma_start3A_290 = tpu.memref_slice %arg3[%dma_start3A_288, %dma_start3A_289] : memref<8192x1024xf32, #tpu.memory_space<hbm>> -> memref<8192x1024xf32, #tpu.memory_space<hbm>>
    tpu.enqueue_indirect_dma source(%dma_start3A_290 : memref<8192x1024xf32, #tpu.memory_space<hbm>>) target(%arg6 : memref<32x1024xf32, #tpu.memory_space<vmem>>) offsets(%dma_start3A_287 : memref<32xi32, #tpu.memory_space<vmem>>) semaphore(%arg9 : memref<!tpu.dma_semaphore, #tpu.memory_space<semaphore_mem>>)
    %add3A_291 = arith.constant 320 : i32
    %add3A_292 = arith.addi %mul3A_32, %add3A_291 : i32
    %dma_start3A_293 = arith.constant 0 : i32
    %dma_start3A_294 = tpu.memref_slice %arg4[%select_n3A, %add3A_292, %dma_start3A_293] : memref<4x4096x1024xf32, #tpu.memory_space<hbm>> -> memref<1x32x1024xf32, #tpu.memory_space<hbm>>
    %dma_start3A_295 = tpu.memref_squeeze %dma_start3A_294 : memref<1x32x1024xf32, #tpu.memory_space<hbm>> -> memref<32x1024xf32, #tpu.memory_space<hbm>>
    %dma_start3A_296 = arith.constant 0 : i32
    %dma_start3A_297 = tpu.memref_slice %arg4[%select_n3A, %add3A_292, %dma_start3A_296] : memref<4x4096x1024xf32, #tpu.memory_space<hbm>> -> memref<1x32x1024xf32, #tpu.memory_space<hbm>>
    %dma_start3A_298 = tpu.memref_squeeze %dma_start3A_297 : memref<1x32x1024xf32, #tpu.memory_space<hbm>> -> memref<32x1024xf32, #tpu.memory_space<hbm>>
    tpu.enqueue_dma source(%arg7 : memref<32x1024xf32, #tpu.memory_space<vmem>>) target(%dma_start3A_298 : memref<32x1024xf32, #tpu.memory_space<hbm>>) target_semaphore(%arg10 : memref<!tpu.dma_semaphore, #tpu.memory_space<semaphore_mem>>)
    %dma_wait3A_299 = arith.constant 352 : i32
    %dma_wait3A_300 = tpu.memref_slice %arg5[%dma_wait3A_299] : memref<512xi32, #tpu.memory_space<vmem>> -> memref<32xi32, #tpu.memory_space<vmem>>
    %dma_wait3A_301 = arith.constant 0 : i32
    %dma_wait3A_302 = arith.constant 0 : i32
    %dma_wait3A_303 = tpu.memref_slice %arg3[%dma_wait3A_301, %dma_wait3A_302] : memref<8192x1024xf32, #tpu.memory_space<hbm>> -> memref<8192x1024xf32, #tpu.memory_space<hbm>>
    tpu.wait_indirect_dma semaphore(%arg9 : memref<!tpu.dma_semaphore, #tpu.memory_space<semaphore_mem>>) src(%dma_wait3A_303 : memref<8192x1024xf32, #tpu.memory_space<hbm>>) dst(%arg8 : memref<32x1024xf32, #tpu.memory_space<vmem>>)
    %dma_wait3A_304 = arith.constant 0 : i32
    %dma_wait3A_305 = tpu.memref_slice %arg4[%select_n3A, %add3A_292, %dma_wait3A_304] : memref<4x4096x1024xf32, #tpu.memory_space<hbm>> -> memref<1x32x1024xf32, #tpu.memory_space<hbm>>
    %dma_wait3A_306 = tpu.memref_squeeze %dma_wait3A_305 : memref<1x32x1024xf32, #tpu.memory_space<hbm>> -> memref<32x1024xf32, #tpu.memory_space<hbm>>
    %dma_wait3A_307 = arith.constant 0 : i32
    %dma_wait3A_308 = tpu.memref_slice %arg4[%select_n3A, %add3A_292, %dma_wait3A_307] : memref<4x4096x1024xf32, #tpu.memory_space<hbm>> -> memref<1x32x1024xf32, #tpu.memory_space<hbm>>
    %dma_wait3A_309 = tpu.memref_squeeze %dma_wait3A_308 : memref<1x32x1024xf32, #tpu.memory_space<hbm>> -> memref<32x1024xf32, #tpu.memory_space<hbm>>
    tpu.wait_dma2 semaphore(%arg10 : memref<!tpu.dma_semaphore, #tpu.memory_space<semaphore_mem>>) src(%arg7 : memref<32x1024xf32, #tpu.memory_space<vmem>>) dst(%dma_wait3A_309 : memref<32x1024xf32, #tpu.memory_space<hbm>>)
    %dma_start3A_310 = arith.constant 416 : i32
    %dma_start3A_311 = tpu.memref_slice %arg5[%dma_start3A_310] : memref<512xi32, #tpu.memory_space<vmem>> -> memref<32xi32, #tpu.memory_space<vmem>>
    %dma_start3A_312 = arith.constant 0 : i32
    %dma_start3A_313 = arith.constant 0 : i32
    %dma_start3A_314 = tpu.memref_slice %arg3[%dma_start3A_312, %dma_start3A_313] : memref<8192x1024xf32, #tpu.memory_space<hbm>> -> memref<8192x1024xf32, #tpu.memory_space<hbm>>
    tpu.enqueue_indirect_dma source(%dma_start3A_314 : memref<8192x1024xf32, #tpu.memory_space<hbm>>) target(%arg7 : memref<32x1024xf32, #tpu.memory_space<vmem>>) offsets(%dma_start3A_311 : memref<32xi32, #tpu.memory_space<vmem>>) semaphore(%arg9 : memref<!tpu.dma_semaphore, #tpu.memory_space<semaphore_mem>>)
    %add3A_315 = arith.constant 352 : i32
    %add3A_316 = arith.addi %mul3A_32, %add3A_315 : i32
    %dma_start3A_317 = arith.constant 0 : i32
    %dma_start3A_318 = tpu.memref_slice %arg4[%select_n3A, %add3A_316, %dma_start3A_317] : memref<4x4096x1024xf32, #tpu.memory_space<hbm>> -> memref<1x32x1024xf32, #tpu.memory_space<hbm>>
    %dma_start3A_319 = tpu.memref_squeeze %dma_start3A_318 : memref<1x32x1024xf32, #tpu.memory_space<hbm>> -> memref<32x1024xf32, #tpu.memory_space<hbm>>
    %dma_start3A_320 = arith.constant 0 : i32
    %dma_start3A_321 = tpu.memref_slice %arg4[%select_n3A, %add3A_316, %dma_start3A_320] : memref<4x4096x1024xf32, #tpu.memory_space<hbm>> -> memref<1x32x1024xf32, #tpu.memory_space<hbm>>
    %dma_start3A_322 = tpu.memref_squeeze %dma_start3A_321 : memref<1x32x1024xf32, #tpu.memory_space<hbm>> -> memref<32x1024xf32, #tpu.memory_space<hbm>>
    tpu.enqueue_dma source(%arg8 : memref<32x1024xf32, #tpu.memory_space<vmem>>) target(%dma_start3A_322 : memref<32x1024xf32, #tpu.memory_space<hbm>>) target_semaphore(%arg10 : memref<!tpu.dma_semaphore, #tpu.memory_space<semaphore_mem>>)
    %dma_wait3A_323 = arith.constant 384 : i32
    %dma_wait3A_324 = tpu.memref_slice %arg5[%dma_wait3A_323] : memref<512xi32, #tpu.memory_space<vmem>> -> memref<32xi32, #tpu.memory_space<vmem>>
    %dma_wait3A_325 = arith.constant 0 : i32
    %dma_wait3A_326 = arith.constant 0 : i32
    %dma_wait3A_327 = tpu.memref_slice %arg3[%dma_wait3A_325, %dma_wait3A_326] : memref<8192x1024xf32, #tpu.memory_space<hbm>> -> memref<8192x1024xf32, #tpu.memory_space<hbm>>
    tpu.wait_indirect_dma semaphore(%arg9 : memref<!tpu.dma_semaphore, #tpu.memory_space<semaphore_mem>>) src(%dma_wait3A_327 : memref<8192x1024xf32, #tpu.memory_space<hbm>>) dst(%arg6 : memref<32x1024xf32, #tpu.memory_space<vmem>>)
    %dma_wait3A_328 = arith.constant 0 : i32
    %dma_wait3A_329 = tpu.memref_slice %arg4[%select_n3A, %add3A_316, %dma_wait3A_328] : memref<4x4096x1024xf32, #tpu.memory_space<hbm>> -> memref<1x32x1024xf32, #tpu.memory_space<hbm>>
    %dma_wait3A_330 = tpu.memref_squeeze %dma_wait3A_329 : memref<1x32x1024xf32, #tpu.memory_space<hbm>> -> memref<32x1024xf32, #tpu.memory_space<hbm>>
    %dma_wait3A_331 = arith.constant 0 : i32
    %dma_wait3A_332 = tpu.memref_slice %arg4[%select_n3A, %add3A_316, %dma_wait3A_331] : memref<4x4096x1024xf32, #tpu.memory_space<hbm>> -> memref<1x32x1024xf32, #tpu.memory_space<hbm>>
    %dma_wait3A_333 = tpu.memref_squeeze %dma_wait3A_332 : memref<1x32x1024xf32, #tpu.memory_space<hbm>> -> memref<32x1024xf32, #tpu.memory_space<hbm>>
    tpu.wait_dma2 semaphore(%arg10 : memref<!tpu.dma_semaphore, #tpu.memory_space<semaphore_mem>>) src(%arg8 : memref<32x1024xf32, #tpu.memory_space<vmem>>) dst(%dma_wait3A_333 : memref<32x1024xf32, #tpu.memory_space<hbm>>)
    %dma_start3A_334 = arith.constant 448 : i32
    %dma_start3A_335 = tpu.memref_slice %arg5[%dma_start3A_334] : memref<512xi32, #tpu.memory_space<vmem>> -> memref<32xi32, #tpu.memory_space<vmem>>
    %dma_start3A_336 = arith.constant 0 : i32
    %dma_start3A_337 = arith.constant 0 : i32
    %dma_start3A_338 = tpu.memref_slice %arg3[%dma_start3A_336, %dma_start3A_337] : memref<8192x1024xf32, #tpu.memory_space<hbm>> -> memref<8192x1024xf32, #tpu.memory_space<hbm>>
    tpu.enqueue_indirect_dma source(%dma_start3A_338 : memref<8192x1024xf32, #tpu.memory_space<hbm>>) target(%arg8 : memref<32x1024xf32, #tpu.memory_space<vmem>>) offsets(%dma_start3A_335 : memref<32xi32, #tpu.memory_space<vmem>>) semaphore(%arg9 : memref<!tpu.dma_semaphore, #tpu.memory_space<semaphore_mem>>)
    %add3A_339 = arith.constant 384 : i32
    %add3A_340 = arith.addi %mul3A_32, %add3A_339 : i32
    %dma_start3A_341 = arith.constant 0 : i32
    %dma_start3A_342 = tpu.memref_slice %arg4[%select_n3A, %add3A_340, %dma_start3A_341] : memref<4x4096x1024xf32, #tpu.memory_space<hbm>> -> memref<1x32x1024xf32, #tpu.memory_space<hbm>>
    %dma_start3A_343 = tpu.memref_squeeze %dma_start3A_342 : memref<1x32x1024xf32, #tpu.memory_space<hbm>> -> memref<32x1024xf32, #tpu.memory_space<hbm>>
    %dma_start3A_344 = arith.constant 0 : i32
    %dma_start3A_345 = tpu.memref_slice %arg4[%select_n3A, %add3A_340, %dma_start3A_344] : memref<4x4096x1024xf32, #tpu.memory_space<hbm>> -> memref<1x32x1024xf32, #tpu.memory_space<hbm>>
    %dma_start3A_346 = tpu.memref_squeeze %dma_start3A_345 : memref<1x32x1024xf32, #tpu.memory_space<hbm>> -> memref<32x1024xf32, #tpu.memory_space<hbm>>
    tpu.enqueue_dma source(%arg6 : memref<32x1024xf32, #tpu.memory_space<vmem>>) target(%dma_start3A_346 : memref<32x1024xf32, #tpu.memory_space<hbm>>) target_semaphore(%arg10 : memref<!tpu.dma_semaphore, #tpu.memory_space<semaphore_mem>>)
    %dma_wait3A_347 = arith.constant 416 : i32
    %dma_wait3A_348 = tpu.memref_slice %arg5[%dma_wait3A_347] : memref<512xi32, #tpu.memory_space<vmem>> -> memref<32xi32, #tpu.memory_space<vmem>>
    %dma_wait3A_349 = arith.constant 0 : i32
    %dma_wait3A_350 = arith.constant 0 : i32
    %dma_wait3A_351 = tpu.memref_slice %arg3[%dma_wait3A_349, %dma_wait3A_350] : memref<8192x1024xf32, #tpu.memory_space<hbm>> -> memref<8192x1024xf32, #tpu.memory_space<hbm>>
    tpu.wait_indirect_dma semaphore(%arg9 : memref<!tpu.dma_semaphore, #tpu.memory_space<semaphore_mem>>) src(%dma_wait3A_351 : memref<8192x1024xf32, #tpu.memory_space<hbm>>) dst(%arg7 : memref<32x1024xf32, #tpu.memory_space<vmem>>)
    %dma_wait3A_352 = arith.constant 0 : i32
    %dma_wait3A_353 = tpu.memref_slice %arg4[%select_n3A, %add3A_340, %dma_wait3A_352] : memref<4x4096x1024xf32, #tpu.memory_space<hbm>> -> memref<1x32x1024xf32, #tpu.memory_space<hbm>>
    %dma_wait3A_354 = tpu.memref_squeeze %dma_wait3A_353 : memref<1x32x1024xf32, #tpu.memory_space<hbm>> -> memref<32x1024xf32, #tpu.memory_space<hbm>>
    %dma_wait3A_355 = arith.constant 0 : i32
    %dma_wait3A_356 = tpu.memref_slice %arg4[%select_n3A, %add3A_340, %dma_wait3A_355] : memref<4x4096x1024xf32, #tpu.memory_space<hbm>> -> memref<1x32x1024xf32, #tpu.memory_space<hbm>>
    %dma_wait3A_357 = tpu.memref_squeeze %dma_wait3A_356 : memref<1x32x1024xf32, #tpu.memory_space<hbm>> -> memref<32x1024xf32, #tpu.memory_space<hbm>>
    tpu.wait_dma2 semaphore(%arg10 : memref<!tpu.dma_semaphore, #tpu.memory_space<semaphore_mem>>) src(%arg6 : memref<32x1024xf32, #tpu.memory_space<vmem>>) dst(%dma_wait3A_357 : memref<32x1024xf32, #tpu.memory_space<hbm>>)
    %dma_start3A_358 = arith.constant 480 : i32
    %dma_start3A_359 = tpu.memref_slice %arg5[%dma_start3A_358] : memref<512xi32, #tpu.memory_space<vmem>> -> memref<32xi32, #tpu.memory_space<vmem>>
    %dma_start3A_360 = arith.constant 0 : i32
    %dma_start3A_361 = arith.constant 0 : i32
    %dma_start3A_362 = tpu.memref_slice %arg3[%dma_start3A_360, %dma_start3A_361] : memref<8192x1024xf32, #tpu.memory_space<hbm>> -> memref<8192x1024xf32, #tpu.memory_space<hbm>>
    tpu.enqueue_indirect_dma source(%dma_start3A_362 : memref<8192x1024xf32, #tpu.memory_space<hbm>>) target(%arg6 : memref<32x1024xf32, #tpu.memory_space<vmem>>) offsets(%dma_start3A_359 : memref<32xi32, #tpu.memory_space<vmem>>) semaphore(%arg9 : memref<!tpu.dma_semaphore, #tpu.memory_space<semaphore_mem>>)
    %add3A_363 = arith.constant 416 : i32
    %add3A_364 = arith.addi %mul3A_32, %add3A_363 : i32
    %dma_start3A_365 = arith.constant 0 : i32
    %dma_start3A_366 = tpu.memref_slice %arg4[%select_n3A, %add3A_364, %dma_start3A_365] : memref<4x4096x1024xf32, #tpu.memory_space<hbm>> -> memref<1x32x1024xf32, #tpu.memory_space<hbm>>
    %dma_start3A_367 = tpu.memref_squeeze %dma_start3A_366 : memref<1x32x1024xf32, #tpu.memory_space<hbm>> -> memref<32x1024xf32, #tpu.memory_space<hbm>>
    %dma_start3A_368 = arith.constant 0 : i32
    %dma_start3A_369 = tpu.memref_slice %arg4[%select_n3A, %add3A_364, %dma_start3A_368] : memref<4x4096x1024xf32, #tpu.memory_space<hbm>> -> memref<1x32x1024xf32, #tpu.memory_space<hbm>>
    %dma_start3A_370 = tpu.memref_squeeze %dma_start3A_369 : memref<1x32x1024xf32, #tpu.memory_space<hbm>> -> memref<32x1024xf32, #tpu.memory_space<hbm>>
    tpu.enqueue_dma source(%arg7 : memref<32x1024xf32, #tpu.memory_space<vmem>>) target(%dma_start3A_370 : memref<32x1024xf32, #tpu.memory_space<hbm>>) target_semaphore(%arg10 : memref<!tpu.dma_semaphore, #tpu.memory_space<semaphore_mem>>)
    %dma_wait3A_371 = arith.constant 448 : i32
    %dma_wait3A_372 = tpu.memref_slice %arg5[%dma_wait3A_371] : memref<512xi32, #tpu.memory_space<vmem>> -> memref<32xi32, #tpu.memory_space<vmem>>
    %dma_wait3A_373 = arith.constant 0 : i32
    %dma_wait3A_374 = arith.constant 0 : i32
    %dma_wait3A_375 = tpu.memref_slice %arg3[%dma_wait3A_373, %dma_wait3A_374] : memref<8192x1024xf32, #tpu.memory_space<hbm>> -> memref<8192x1024xf32, #tpu.memory_space<hbm>>
    tpu.wait_indirect_dma semaphore(%arg9 : memref<!tpu.dma_semaphore, #tpu.memory_space<semaphore_mem>>) src(%dma_wait3A_375 : memref<8192x1024xf32, #tpu.memory_space<hbm>>) dst(%arg8 : memref<32x1024xf32, #tpu.memory_space<vmem>>)
    %add3A_376 = arith.constant 448 : i32
    %add3A_377 = arith.addi %mul3A_32, %add3A_376 : i32
    %dma_start3A_378 = arith.constant 0 : i32
    %dma_start3A_379 = tpu.memref_slice %arg4[%select_n3A, %add3A_377, %dma_start3A_378] : memref<4x4096x1024xf32, #tpu.memory_space<hbm>> -> memref<1x32x1024xf32, #tpu.memory_space<hbm>>
    %dma_start3A_380 = tpu.memref_squeeze %dma_start3A_379 : memref<1x32x1024xf32, #tpu.memory_space<hbm>> -> memref<32x1024xf32, #tpu.memory_space<hbm>>
    %dma_start3A_381 = arith.constant 0 : i32
    %dma_start3A_382 = tpu.memref_slice %arg4[%select_n3A, %add3A_377, %dma_start3A_381] : memref<4x4096x1024xf32, #tpu.memory_space<hbm>> -> memref<1x32x1024xf32, #tpu.memory_space<hbm>>
    %dma_start3A_383 = tpu.memref_squeeze %dma_start3A_382 : memref<1x32x1024xf32, #tpu.memory_space<hbm>> -> memref<32x1024xf32, #tpu.memory_space<hbm>>
    tpu.enqueue_dma source(%arg8 : memref<32x1024xf32, #tpu.memory_space<vmem>>) target(%dma_start3A_383 : memref<32x1024xf32, #tpu.memory_space<hbm>>) target_semaphore(%arg10 : memref<!tpu.dma_semaphore, #tpu.memory_space<semaphore_mem>>)
    %dma_wait3A_384 = arith.constant 480 : i32
    %dma_wait3A_385 = tpu.memref_slice %arg5[%dma_wait3A_384] : memref<512xi32, #tpu.memory_space<vmem>> -> memref<32xi32, #tpu.memory_space<vmem>>
    %dma_wait3A_386 = arith.constant 0 : i32
    %dma_wait3A_387 = arith.constant 0 : i32
    %dma_wait3A_388 = tpu.memref_slice %arg3[%dma_wait3A_386, %dma_wait3A_387] : memref<8192x1024xf32, #tpu.memory_space<hbm>> -> memref<8192x1024xf32, #tpu.memory_space<hbm>>
    tpu.wait_indirect_dma semaphore(%arg9 : memref<!tpu.dma_semaphore, #tpu.memory_space<semaphore_mem>>) src(%dma_wait3A_388 : memref<8192x1024xf32, #tpu.memory_space<hbm>>) dst(%arg6 : memref<32x1024xf32, #tpu.memory_space<vmem>>)
    %add3A_389 = arith.constant 480 : i32
    %add3A_390 = arith.addi %mul3A_32, %add3A_389 : i32
    %dma_start3A_391 = arith.constant 0 : i32
    %dma_start3A_392 = tpu.memref_slice %arg4[%select_n3A, %add3A_390, %dma_start3A_391] : memref<4x4096x1024xf32, #tpu.memory_space<hbm>> -> memref<1x32x1024xf32, #tpu.memory_space<hbm>>
    %dma_start3A_393 = tpu.memref_squeeze %dma_start3A_392 : memref<1x32x1024xf32, #tpu.memory_space<hbm>> -> memref<32x1024xf32, #tpu.memory_space<hbm>>
    %dma_start3A_394 = arith.constant 0 : i32
    %dma_start3A_395 = tpu.memref_slice %arg4[%select_n3A, %add3A_390, %dma_start3A_394] : memref<4x4096x1024xf32, #tpu.memory_space<hbm>> -> memref<1x32x1024xf32, #tpu.memory_space<hbm>>
    %dma_start3A_396 = tpu.memref_squeeze %dma_start3A_395 : memref<1x32x1024xf32, #tpu.memory_space<hbm>> -> memref<32x1024xf32, #tpu.memory_space<hbm>>
    tpu.enqueue_dma source(%arg6 : memref<32x1024xf32, #tpu.memory_space<vmem>>) target(%dma_start3A_396 : memref<32x1024xf32, #tpu.memory_space<hbm>>) target_semaphore(%arg10 : memref<!tpu.dma_semaphore, #tpu.memory_space<semaphore_mem>>)
    %dma_wait3A_397 = arith.constant 0 : i32
    %dma_wait3A_398 = tpu.memref_slice %arg4[%select_n3A, %add3A_364, %dma_wait3A_397] : memref<4x4096x1024xf32, #tpu.memory_space<hbm>> -> memref<1x32x1024xf32, #tpu.memory_space<hbm>>
    %dma_wait3A_399 = tpu.memref_squeeze %dma_wait3A_398 : memref<1x32x1024xf32, #tpu.memory_space<hbm>> -> memref<32x1024xf32, #tpu.memory_space<hbm>>
    %dma_wait3A_400 = arith.constant 0 : i32
    %dma_wait3A_401 = tpu.memref_slice %arg4[%select_n3A, %add3A_364, %dma_wait3A_400] : memref<4x4096x1024xf32, #tpu.memory_space<hbm>> -> memref<1x32x1024xf32, #tpu.memory_space<hbm>>
    %dma_wait3A_402 = tpu.memref_squeeze %dma_wait3A_401 : memref<1x32x1024xf32, #tpu.memory_space<hbm>> -> memref<32x1024xf32, #tpu.memory_space<hbm>>
    tpu.wait_dma2 semaphore(%arg10 : memref<!tpu.dma_semaphore, #tpu.memory_space<semaphore_mem>>) src(%arg7 : memref<32x1024xf32, #tpu.memory_space<vmem>>) dst(%dma_wait3A_402 : memref<32x1024xf32, #tpu.memory_space<hbm>>)
    %dma_wait3A_403 = arith.constant 0 : i32
    %dma_wait3A_404 = tpu.memref_slice %arg4[%select_n3A, %add3A_377, %dma_wait3A_403] : memref<4x4096x1024xf32, #tpu.memory_space<hbm>> -> memref<1x32x1024xf32, #tpu.memory_space<hbm>>
    %dma_wait3A_405 = tpu.memref_squeeze %dma_wait3A_404 : memref<1x32x1024xf32, #tpu.memory_space<hbm>> -> memref<32x1024xf32, #tpu.memory_space<hbm>>
    %dma_wait3A_406 = arith.constant 0 : i32
    %dma_wait3A_407 = tpu.memref_slice %arg4[%select_n3A, %add3A_377, %dma_wait3A_406] : memref<4x4096x1024xf32, #tpu.memory_space<hbm>> -> memref<1x32x1024xf32, #tpu.memory_space<hbm>>
    %dma_wait3A_408 = tpu.memref_squeeze %dma_wait3A_407 : memref<1x32x1024xf32, #tpu.memory_space<hbm>> -> memref<32x1024xf32, #tpu.memory_space<hbm>>
    tpu.wait_dma2 semaphore(%arg10 : memref<!tpu.dma_semaphore, #tpu.memory_space<semaphore_mem>>) src(%arg8 : memref<32x1024xf32, #tpu.memory_space<vmem>>) dst(%dma_wait3A_408 : memref<32x1024xf32, #tpu.memory_space<hbm>>)
    %dma_wait3A_409 = arith.constant 0 : i32
    %dma_wait3A_410 = tpu.memref_slice %arg4[%select_n3A, %add3A_390, %dma_wait3A_409] : memref<4x4096x1024xf32, #tpu.memory_space<hbm>> -> memref<1x32x1024xf32, #tpu.memory_space<hbm>>
    %dma_wait3A_411 = tpu.memref_squeeze %dma_wait3A_410 : memref<1x32x1024xf32, #tpu.memory_space<hbm>> -> memref<32x1024xf32, #tpu.memory_space<hbm>>
    %dma_wait3A_412 = arith.constant 0 : i32
    %dma_wait3A_413 = tpu.memref_slice %arg4[%select_n3A, %add3A_390, %dma_wait3A_412] : memref<4x4096x1024xf32, #tpu.memory_space<hbm>> -> memref<1x32x1024xf32, #tpu.memory_space<hbm>>
    %dma_wait3A_414 = tpu.memref_squeeze %dma_wait3A_413 : memref<1x32x1024xf32, #tpu.memory_space<hbm>> -> memref<32x1024xf32, #tpu.memory_space<hbm>>
    tpu.wait_dma2 semaphore(%arg10 : memref<!tpu.dma_semaphore, #tpu.memory_space<semaphore_mem>>) src(%arg6 : memref<32x1024xf32, #tpu.memory_space<vmem>>) dst(%dma_wait3A_414 : memref<32x1024xf32, #tpu.memory_space<hbm>>)
    return
  }
}

</mosaic_0001>

<sc_bundles>
// kernel: kernel.3.cloned.1.call-start
scs
__scs_entry_jumppad:
0x0: {  	(pc) =	sbr.rel $0x88, $3  }
0x1: {  	(tag) =	ssettag $0x0;
	lr =	simm.s32 $0x1  }
0x2: {  	[smem:$0x3F9F] =	sst lr;
	_ =	strace $0xD0000000  }
0x3: {  	_ = 	snop  }
0x4: {  	_ = 	snop  }
0x5: {  	_ = 	snop  }
0x6: {  	_ = 	snop  }
0x7: {  	_ = 	snop  }
__scs_overlays_trampoline_lowered:
0x8: {  	[smem:$0x3FAE] =	sst s0  }
0x9: {  	[smem:$0x3FAF] =	sst s1  }
0xa: {  	[smem:$0x3FB0] =	sst s2  }
0xb: {  	[smem:$0x3FB1] =	sst s3  }
0xc: {  	[smem:$0x3FB2] =	sst s4  }
0xd: {  	[smem:$0x3FB3] =	sst s5  }
0xe: {  	[smem:$0x3FB4] =	sst s6  }
0xf: {  	[smem:$0x3FB5] =	sst s7  }
0x10: {  	[smem:$0x3FB6] =	sst s8  }
0x11: {  	[smem:$0x3FB7] =	sst s9;
	s0 =	simm.s32 @!p0 $0x0  }
0x12: {  	s1 =	sld [smem:$0x3F9D];
	s0 =	simm.s32 @p0 $0x1  }
0x13: {  	[smem:$0x3FB8] =	sst s0;
	s0 =	simm.s32 @!p1 $0x0  }
0x14: {  	s2 =	sld [smem:$0x3F9C];
	s0 =	simm.s32 @p1 $0x1  }
0x15: {  	[smem:$0x3FB9] =	sst s0;
	s0 =	simm.s32 @!p2 $0x0  }
0x16: {  	s3 =	sld [smem:$0x3FDB];
	s0 =	simm.s32 @p2 $0x1  }
0x17: {  	s4 =	simm.s32 $0x1BF5;
	[smem:$0x3FBB] =	sst s0  }
0x18: {  	s0 =	sld [smem:$0x3F9E];
	_ =	swait.ge [sflag:s4], $0x0  }
0x19: {  	s7 =	sld [smem:$0x3F9F]  }
0x1a: {  	s8 =	sadd.s32 $0xFFFFE003, lr  }
0x1b: {  	s9 =	sadd.s32 $0xFFFFFEF7, lr;
	s5 =	simm.s32 $0xFFFFFFFF;
	p2 =	slt.u32 s8, $0xFFFFF086  }
0x1c: {  	p1 =	slt.u32 s9, $0xF7A;
	s5 =	simm.s32 @!p2 $0x0  }
0x1d: {  	s5 =	simm.s32 @p1 $0x1;
	p0 =	seq.s32 s7, s2  }
0x1e: {  	s7 =	smul.u32 @!p0 $0xF7A, s2;
	p2 =	seq.s32 @!p0 s5, $0x0  }
0x1f: {  	s9 =	smul.u32 $0xF7A, s1;
	s8 =	simm.s32 @!p0 $0x1BF5;
	p2 =	por !p2, p0  }
0x20: {  	[sflag:s8] =	ssyncset.s32 @!p0 $0xFFFFF086;
	s6 =	sadd.s32 @!p0 s3, s7;
	s7 =	simm.s32 @!p0 $0x108  }
0x21: {  	s3 =	sadd.s32 s3, s9;
	s6 =	sadd.s32 @!p0 $0x88, s6;
	s7 =	simm.s32 @p2 $0x1082  }
0x22: {  	[simem:s7], [sflag:s8] =	dma.local @!p0 [hbm:s6], $0xF7A  }
0x23: {  	s9 =	sor.u32 $0xD0000000, s2;
	s6 =	simm.s32 $0x108;
	_ =	swait.ge @!p0 [sflag:s8], $0x0  }
0x24: {  	s3 =	sadd.s32 $0x88, s3;
	s6 =	simm.s32 @!p1 $0x1082;
	[sflag:s4] =	ssyncset.s32 $0xFFFFF086  }
0x25: {  	[simem:s6], [sflag:s4] =	dma.local [hbm:s3], $0xF7A  }
0x26: {  	[smem:$0x3F9F] =	sst s1;
	(tag) =	ssettag s2;
	_ =	strace s9  }
0x27: {  	s1 =	sld [smem:$0x3FAF]  }
0x28: {  	s2 =	sld [smem:$0x3FB0]  }
0x29: {  	s4 =	sld [smem:$0x3FB2]  }
0x2a: {  	p0 =	seq.s32 s5, $0x0;
	s5 =	sld [smem:$0x3FB3]  }
0x2b: {  	s6 =	sld [smem:$0x3FB4]  }
0x2c: {  	s7 =	sld [smem:$0x3FB5]  }
0x2d: {  	s3 =	simm.s32 $0x108;
	s8 =	sld [smem:$0x3FB6]  }
0x2e: {  	s3 =	simm.s32 @!p0 $0x1082;
	s9 =	sld [smem:$0x3FB7]  }
0x2f: {  	lr =	sadd.s32 s0, s3;
	s0 =	sld [smem:$0x3FAE]  }
0x30: {  	s3 =	sld [smem:$0x3FB1]  }
0x31: {  	[smem:$0x3FBA] =	sst s10  }
0x32: {  	s10 =	sld [smem:$0x3FB8];
	_ =	sdelay $0x3  }
0x33: {  	p0 =	seq.s32 s10, $0x1;
	s10 =	sld [smem:$0x3FBA];
	_ =	sdelay $0x3  }
0x34: {  	[smem:$0x3FBA] =	sst s10  }
0x35: {  	s10 =	sld [smem:$0x3FB9];
	_ =	sdelay $0x3  }
0x36: {  	p1 =	seq.s32 s10, $0x1;
	s10 =	sld [smem:$0x3FBA];
	_ =	sdelay $0x3  }
0x37: {  	[smem:$0x3FBA] =	sst s10  }
0x38: {  	s10 =	sld [smem:$0x3FBB]  }
0x39: {  	_ = 	snop;
	(pc) =	sbr.ind lr, $3  }
0x3a: {  	_ = 	snop  }
0x3b: {  	_ = 	snop  }
0x3c: {  	p2 =	seq.s32 s10, $0x1;
	s10 =	sld [smem:$0x3FBA]  }
0x3d: {  	_ =	shalt  }
0x3e: {  	_ =	shalt  }
0x3f: {  	_ =	shalt  }
0x40: {  	_ =	shalt  }
0x41: {  	_ =	shalt  }
0x42: {  	_ =	shalt  }
0x43: {  	_ =	shalt  }
0x44: {  	_ =	shalt  }
0x45: {  	_ =	shalt  }
0x46: {  	_ =	shalt  }
0x47: {  	_ =	shalt  }
0x48: {  	_ =	shalt  }
0x49: {  	_ =	shalt  }
0x4a: {  	_ =	shalt  }
0x4b: {  	_ =	shalt  }
0x4c: {  	_ =	shalt  }
0x4d: {  	_ =	shalt  }
0x4e: {  	_ =	shalt  }
0x4f: {  	_ =	shalt  }
0x50: {  	_ =	shalt  }
0x51: {  	_ =	shalt  }
0x52: {  	_ =	shalt  }
0x53: {  	_ =	shalt  }
0x54: {  	_ =	shalt  }
0x55: {  	_ =	shalt  }
0x56: {  	_ =	shalt  }
0x57: {  	_ =	shalt  }
0x58: {  	_ =	shalt  }
0x59: {  	_ =	shalt  }
0x5a: {  	_ =	shalt  }
0x5b: {  	_ =	shalt  }
0x5c: {  	_ =	shalt  }
0x5d: {  	_ =	shalt  }
0x5e: {  	_ =	shalt  }
0x5f: {  	_ =	shalt  }
0x60: {  	_ =	shalt  }
0x61: {  	_ =	shalt  }
0x62: {  	_ =	shalt  }
0x63: {  	_ =	shalt  }
0x64: {  	_ =	shalt  }
0x65: {  	_ =	shalt  }
0x66: {  	_ =	shalt  }
0x67: {  	_ =	shalt  }
0x68: {  	_ =	shalt  }
0x69: {  	_ =	shalt  }
0x6a: {  	_ =	shalt  }
0x6b: {  	_ =	shalt  }
0x6c: {  	_ =	shalt  }
0x6d: {  	_ =	shalt  }
0x6e: {  	_ =	shalt  }
0x6f: {  	_ =	shalt  }
0x70: {  	_ =	shalt  }
0x71: {  	_ =	shalt  }
0x72: {  	_ =	shalt  }
0x73: {  	_ =	shalt  }
0x74: {  	_ =	shalt  }
0x75: {  	_ =	shalt  }
0x76: {  	_ =	shalt  }
0x77: {  	_ =	shalt  }
0x78: {  	_ =	shalt  }
0x79: {  	_ =	shalt  }
0x7a: {  	_ =	shalt  }
0x7b: {  	_ =	shalt  }
0x7c: {  	_ =	shalt  }
0x7d: {  	_ =	shalt  }
0x7e: {  	_ =	shalt  }
0x7f: {  	_ =	shalt  }
0x80: {  	_ =	shalt  }
0x81: {  	_ =	shalt  }
0x82: {  	_ =	shalt  }
0x83: {  	_ =	shalt  }
0x84: {  	_ =	shalt  }
0x85: {  	_ =	shalt  }
0x86: {  	_ =	shalt  }
0x87: {  	_ =	shalt  }
.Lfunc_end0:
.L_simem_size_0:
called_computation_lowered:
.L_overlay_start_0:
0x88: {  	s2 =	sld [smem:$0x3FD9]  }
0x89: {  	s3 =	sld [smem:$0x3FFE];
	_ =	sdelay $0x1  }
0x8a: {  	s1 =	srdreg.scid  }
0x8b: {  	s0 =	sand.u32 $0x1, s1  }
0x8c: {  	s18 =	sshll.u32 s0, $0xA;
	s2 =	sadd.s32 s3, s2  }
0x8d: {  	s2 =	sadd.s32 s2, s18  }
0x8e: {  	[smem:$0x3FC6] =	sst s2  }
0x8f: {  	_ = 	snop  }
0x90: {  	s2 =	sld [smem:$0x3FC9]  }
0x91: {  	s19 =	sld [smem:$0x3FC8]  }
0x92: {  	s4 =	sld [smem:$0x3FD0];
	(tm) =	ssettm $0x1  }
0x93: {  	s5 =	sld [smem:$0x3FFB];
	_ =	sdelay $0x3  }
0x94: {  	_ =	strace s5  }
0x95: {  	s5 =	sld [smem:$0x3FFC];
	_ =	sdelay $0x3  }
0x96: {  	_ =	strace s5  }
0x97: {  	s5 =	sld [smem:$0x3FFD];
	_ =	sdelay $0x3  }
0x98: {  	_ =	strace s5  }
0x99: {  	_ =	strace $0x8FFFFFFF  }
0x9a: {  	s20 =	sld [smem:$0x3FDB];
	_ =	sdelay $0x1  }
0x9b: {  	s6 =	simm.s32 $_scs_section_size  }
0x9c: {  	s7 =	simm.s32 $_size__tile_overlayer_lowered;
	s8 =	simm.s32 $_tile_overlayer_lowered  }
0x9d: {  	s23 =	simm.s32 $0x1BFF;
	s22 =	sshll.u32 s8, $0x1;
	s5 =	sadd.s32 s6, s20  }
0x9e: {  	s9 =	simm.s32 $0x0;
	s21 =	sshll.u32 s7, $0x1;
	s7 =	sadd.s32 s22, s5  }
0x9f: {  	[timem:s9], [sflag:s23] =	dma.local [hbm:s7], s21  }
0xa0: {  	_ =	swait.ge [sflag:s23], s21  }
0xa1: {  	s6 =	ssub.s32 $0x0, s21;
	[sflag:s23] =	ssyncset.done $0x0  }
0xa2: {  	[sflag:s23] =	ssyncadd.s32 s6;
	_ =	sdelay $0x1  }
0xa3: {  	s24 =	simm.s32 $0x1B8B  }
0xa4: {  	_ =	swait.ge [sflag:s24], $0x1  }
0xa5: {  	[sflag:s24] =	ssyncset.done $0x0  }
0xa6: {  	s25 =	simm.s32 $0x1B8E;
	[sflag:s24] =	ssyncadd.s32 $0xFFFFFFFF  }
0xa7: {  	s26 =	simm.s32 $execute0_lowered;
	[smem:$0x3FD2] =	sst s25  }
0xa8: {  	s6 =	sshll.u32 s26, $0x1;
	_ =	strace $0x80000046;
	[dreg:$0x1] =	wrdreg $0xFFFFFFFF  }
0xa9: {  	s28 =	simm.s32 $_size_execute0_lowered;
	s5 =	sadd.s32 s5, s6;
	[dreg:$0x0] =	wrdreg $0x0  }
0xaa: {  	s6 =	sshll.u32 s28, $0x1;
	[dreg:$0x2] =	wrdreg s5  }
0xab: {  	[dreg:$0x3] =	wrdreg s6  }
0xac: {  	[dreg:$0x4] =	wrdreg $0xC0  }
0xad: {  	_ =	task [dreg:s9], $0x5FFFF  }
0xae: {  	[dreg:$0x1] =	wrdreg $0xFFFFFFFF  }
0xaf: {  	[dreg:$0x0] =	wrdreg $0x60  }
0xb0: {  	[dreg:$0x2] =	wrdreg s2  }
0xb1: {  	[dreg:$0x3] =	wrdreg s19  }
0xb2: {  	[dreg:$0x4] =	wrdreg s4  }
0xb3: {  	[dreg:$0x5] =	wrdreg $0x9  }
0xb4: {  	_ =	task.clear_ibuf [dreg:s9], $0x6FFFF;
	_ =	strace $0x90000046  }
0xb5: {  	s29 =	simm.s32 $0x9;
	_ =	strace $0x80000048  }
0xb6: {  	_ =	swait.ge [sflag:s29], $0x1  }
0xb7: {  	[sflag:s29] =	ssyncadd.s32 $0xFFFFFFFF  }
0xb8: {  	_ =	strace $0x90000048  }
0xb9: {  	_ =	sfence  }
0xba: {  	s30 =	sld [smem:$0x0];
	_ =	sdelay $0x2  }
0xbb: {  	s31 =	sshll.u32 s1, $0xD;
	s1 =	sshrl.u32 s1, $0x2  }
0xbc: {  	s3 =	sand.u32 $0x4000, s31;
	s1 =	sadd.s32 s1, s30  }
0xbd: {  	s0 =	sor.u32 s3, s0;
	s1 =	sshll.u32 s1, $0x11  }
0xbe: {  	s0 =	sor.u32 s1, s0  }
0xbf: {  	s0 =	sadd.s32 $0x8F2B, s0  }
0xc0: {  	[sflag:s0] =	ssyncadd.remote.s32 $0x1  }
0xc1: {  	_ =	sfence.sel $0xFFFF  }
0xc2: {  	[dreg:$0x0] =	wrdreg $0xFFFFFFFF;
	(pc) =	sbr.abs _section_cstart, $3  }
0xc3: {  	[dreg:$0x1] =	wrdreg $0xFFFFFFFF  }
0xc4: {  	_ =	task.clear_ibuf [dreg:s9], $0x2FFFF;
	_ =	strace $0x9FFFFFFF  }
0xc5: {  	(tm) =	ssettm $0x7FFFFFFF  }
tec
execute0_lowered:
.L_overlay_start_1:
0x0: {  	(tag) =	ssettag $0x1  }
0x1: {  	s0 =	rddreg [dreg:$0x0]  }
0x2: {  	s2 =	rddreg [dreg:$0x1]  }
0x3: {  	s1 =	rddreg [dreg:$0x2];
	s6 =	stileid.u32  }
0x4: {  	s4 =	srdreg.scid;
	s3 =	simm.s32 $0x0;
	s31 =	simm.s32 $0x80  }
0x5: {  	s5 =	sshll.u32 s6, $0x1;
	s4 =	sand.u32 $0x1, s4;
	s6 =	sshrl.u32 s6, $0x2  }
0x6: {  	[smem:$0x7FF] =	sst s3;
	s5 =	sand.u32 $0x6, s5;
	s8 =	sshll.u32 s6, $0x4  }
0x7: {  	s6 =	sshll.u32 s6, $0x13;
	_ =	strace $0x80000047;
	s5 =	sor.u32 s4, s5  }
0x8: {  	s0 =	sadd.s32 s0, s8;
	s7 =	sshll.u32 s5, $0x10;
	s5 =	sshll.u32 s5, $0x8  }
0x9: {  	[dreg:$0x14] =	wrdreg s31;
	s6 =	sor.u32 s6, s7;
	s0 =	sadd.s32 s5, s0  }
0xa: {  	s6 =	sadd.s32 s1, s6;
	[dreg:$0x4] =	wrdreg s0  }
0xb: {  	s13 =	sadd.s32 $0x1000, s6;
	[dreg:$0x15] =	wrdreg s6  }
0xc: {  	s14 =	sadd.s32 $0x2000, s6;
	[dreg:$0x5] =	wrdreg s13  }
0xd: {  	s15 =	sadd.s32 $0x3000, s6;
	[dreg:$0x6] =	wrdreg s14  }
0xe: {  	s16 =	sadd.s32 $0x4000, s6;
	[dreg:$0x7] =	wrdreg s15  }
0xf: {  	s17 =	sadd.s32 $0x5000, s6;
	[dreg:$0x8] =	wrdreg s16  }
0x10: {  	s18 =	sadd.s32 $0x6000, s6;
	[dreg:$0x9] =	wrdreg s17  }
0x11: {  	s9 =	simm.s32 $0x200;
	s19 =	sadd.s32 $0x7000, s6;
	[dreg:$0xa] =	wrdreg s18  }
0x12: {  	s10 =	simm.s32 $0x1;
	s20 =	sadd.s32 $0x8000, s6;
	[dreg:$0xb] =	wrdreg s19  }
0x13: {  	s28 =	simm.s32 $0x8200;
	s21 =	sadd.s32 $0x9000, s6;
	[dreg:$0xc] =	wrdreg s20  }
0x14: {  	s24 =	ssub.s32 $0x2, s4;
	s22 =	sadd.s32 $0xA000, s6;
	[dreg:$0xd] =	wrdreg s21  }
0x15: {  	s4 =	sshrl.u32 s24, $0x1;
	s23 =	sadd.s32 $0xB000, s6;
	[dreg:$0xe] =	wrdreg s22  }
0x16: {  	s5 =	sadd.s32 $0x100, s2;
	s25 =	sadd.s32 $0xC000, s6;
	[dreg:$0xf] =	wrdreg s23  }
0x17: {  	s7 =	sadd.s32 $0x300, s2;
	s26 =	sadd.s32 $0xD000, s6;
	[dreg:$0x10] =	wrdreg s25  }
0x18: {  	v2 =	vlaneseq.u32;
	s1 =	ssub.s32 s24, s4;
	s29 =	sadd.s32 $0xE000, s6;
	[dreg:$0x11] =	wrdreg s26  }
0x19: {  	vm0 =	vmmov $0xffff;
	v1 =	vshrl.u32 v2, $0x3;
	s0 =	simm.s32 $0x2;
	s30 =	sadd.s32 $0xF000, s6;
	[dreg:$0x12] =	wrdreg s29  }
0x1a: {  	v0 =	vand.u32 $0x7, v2;
	v2 =	vor.u32 $0x8, v2;
	v1 =	vmul.u32 $0x8, v1;
	s6 =	sadd.s32 $0x200, s2;
	s8 =	smax.u32 s1, $0x1;
	[dreg:$0x13] =	wrdreg s30  }
.LBB2_1:
0x1b: {  	s1 =	rddreg [dreg:$0x4]  }
0x1c: {  	s4 =	rddreg [dreg:$0x14];
	s24 =	simm.s32 $0x3  }
0x1d: {  	[tilespmem:s3], [sflag:$0x3] =	stream.strided.gather [hbm4b:s1+s4], $0x200, s9, s4, $0x38;
	[tilespmem:$0x18200] =	vst v63  }
0x1e: {  	_ =	swait.ge [sflag:s24], $0x200  }
0x1f: {  	[sflag:s24] =	ssyncset.done $0x0  }
0x20: {  	[sflag:s24] =	ssyncadd.s32 $0xFFFFFE00  }
0x21: {  	v3 =	vld [tilespmem:$0x0];
	_ =	sdelay $0x4  }
0x22: {  	v4 =	vshll.u32 v3, $0x3  }
0x23: {  	v3 =	vand.u32 $0x7, v3;
	v4 =	vand.u32 $0xFFFFFFC0, v4  }
0x24: {  	v3 =	vor.u32 v3, v4  }
0x25: {  	v4 =	vperm.xlane v3, v0;
	_ =	sdelay $0x1  }
0x26: {  	v4 =	vadd.s32 v1, v4;
	_ =	sdelay $0x4  }
0x27: {  	[tilespmem:s9], [sflag:$0x1] =	stream.indirect_vreg.gather [hbm4b:s2+s3], $0x80, v4, vm0, $0xb8;
	[tilespmem:$0x18200] =	vst v63  }
0x28: {  	s25 =	simm.s32 $0xA00;
	v3 =	vperm.xlane v3, v2  }
0x29: {  	[tilespmem:s25], [sflag:$0x1] =	stream.indirect_vreg.gather [hbm4b:s5+s3], $0x80, v4, vm0, $0xb8;
	[tilespmem:$0x18200] =	vst v63  }
0x2a: {  	s26 =	simm.s32 $0x1200;
	v3 =	vadd.s32 v1, v3  }
0x2b: {  	[tilespmem:s26], [sflag:$0x1] =	stream.indirect_vreg.gather [hbm4b:s6+s3], $0x80, v4, vm0, $0xb8;
	[tilespmem:$0x18200] =	vst v63  }
0x2c: {  	s29 =	simm.s32 $0x1A00  }
0x2d: {  	[tilespmem:s29], [sflag:$0x1] =	stream.indirect_vreg.gather [hbm4b:s7+s3], $0x80, v4, vm0, $0xb8;
	[tilespmem:$0x18200] =	vst v63  }
0x2e: {  	s30 =	simm.s32 $0x2200  }
0x2f: {  	[tilespmem:s30], [sflag:$0x1] =	stream.indirect_vreg.gather [hbm4b:s2+s3], $0x80, v3, vm0, $0xb8;
	[tilespmem:$0x18200] =	vst v63  }
0x30: {  	s31 =	simm.s32 $0x2A00  }
0x31: {  	[tilespmem:s31], [sflag:$0x1] =	stream.indirect_vreg.gather [hbm4b:s5+s3], $0x80, v3, vm0, $0xb8;
	[tilespmem:$0x18200] =	vst v63  }
0x32: {  	s4 =	simm.s32 $0x3200  }
0x33: {  	[tilespmem:s4], [sflag:$0x1] =	stream.indirect_vreg.gather [hbm4b:s6+s3], $0x80, v3, vm0, $0xb8;
	[tilespmem:$0x18200] =	vst v63  }
0x34: {  	s11 =	simm.s32 $0x3A00  }
0x35: {  	[tilespmem:s11], [sflag:$0x1] =	stream.indirect_vreg.gather [hbm4b:s7+s3], $0x80, v3, vm0, $0xb8;
	[tilespmem:$0x18200] =	vst v63  }
0x36: {  	v3 =	vld [tilespmem:$0x10];
	_ =	sdelay $0x4  }
0x37: {  	v33 =	vshll.u32 v3, $0x3  }
0x38: {  	v3 =	vand.u32 $0x7, v3;
	v4 =	vand.u32 $0xFFFFFFC0, v33  }
0x39: {  	v3 =	vor.u32 v3, v4  }
0x3a: {  	v4 =	vperm.xlane v3, v0;
	_ =	sdelay $0x1  }
0x3b: {  	v4 =	vadd.s32 v1, v4;
	_ =	sdelay $0x3  }
0x3c: {  	s12 =	simm.s32 $0x4200  }
0x3d: {  	[tilespmem:s12], [sflag:$0x1] =	stream.indirect_vreg.gather [hbm4b:s2+s3], $0x80, v4, vm0, $0xb8;
	[tilespmem:$0x18200] =	vst v63  }
0x3e: {  	s13 =	simm.s32 $0x4A00;
	v3 =	vperm.xlane v3, v2  }
0x3f: {  	[tilespmem:s13], [sflag:$0x1] =	stream.indirect_vreg.gather [hbm4b:s5+s3], $0x80, v4, vm0, $0xb8;
	[tilespmem:$0x18200] =	vst v63  }
0x40: {  	s14 =	simm.s32 $0x5200;
	v3 =	vadd.s32 v1, v3  }
0x41: {  	[tilespmem:s14], [sflag:$0x1] =	stream.indirect_vreg.gather [hbm4b:s6+s3], $0x80, v4, vm0, $0xb8;
	[tilespmem:$0x18200] =	vst v63  }
0x42: {  	s15 =	simm.s32 $0x5A00  }
0x43: {  	[tilespmem:s15], [sflag:$0x1] =	stream.indirect_vreg.gather [hbm4b:s7+s3], $0x80, v4, vm0, $0xb8;
	[tilespmem:$0x18200] =	vst v63  }
0x44: {  	s20 =	simm.s32 $0x6200  }
0x45: {  	[tilespmem:s20], [sflag:$0x1] =	stream.indirect_vreg.gather [hbm4b:s2+s3], $0x80, v3, vm0, $0xb8;
	[tilespmem:$0x18200] =	vst v63  }
0x46: {  	s21 =	simm.s32 $0x6A00  }
0x47: {  	[tilespmem:s21], [sflag:$0x1] =	stream.indirect_vreg.gather [hbm4b:s5+s3], $0x80, v3, vm0, $0xb8;
	[tilespmem:$0x18200] =	vst v63  }
0x48: {  	s29 =	simm.s32 $0x7200  }
0x49: {  	[tilespmem:s29], [sflag:$0x1] =	stream.indirect_vreg.gather [hbm4b:s6+s3], $0x80, v3, vm0, $0xb8;
	[tilespmem:$0x18200] =	vst v63  }
0x4a: {  	s30 =	simm.s32 $0x7A00  }
0x4b: {  	[tilespmem:s30], [sflag:$0x1] =	stream.indirect_vreg.gather [hbm4b:s7+s3], $0x80, v3, vm0, $0xb8;
	[tilespmem:$0x18200] =	vst v63  }
0x4c: {  	v3 =	vld [tilespmem:$0x20];
	_ =	sdelay $0x4  }
0x4d: {  	v34 =	vshll.u32 v3, $0x3  }
0x4e: {  	v3 =	vand.u32 $0x7, v3;
	v4 =	vand.u32 $0xFFFFFFC0, v34  }
0x4f: {  	v3 =	vor.u32 v3, v4  }
0x50: {  	v4 =	vperm.xlane v3, v0;
	_ =	sdelay $0x1  }
0x51: {  	v4 =	vadd.s32 v1, v4;
	_ =	sdelay $0x4  }
0x52: {  	[tilespmem:s28], [sflag:$0x1] =	stream.indirect_vreg.gather [hbm4b:s2+s3], $0x80, v4, vm0, $0xb8;
	[tilespmem:$0x18200] =	vst v63  }
0x53: {  	s31 =	simm.s32 $0x8A00;
	v3 =	vperm.xlane v3, v2  }
0x54: {  	[tilespmem:s31], [sflag:$0x1] =	stream.indirect_vreg.gather [hbm4b:s5+s3], $0x80, v4, vm0, $0xb8;
	[tilespmem:$0x18200] =	vst v63  }
0x55: {  	s4 =	simm.s32 $0x9200;
	v3 =	vadd.s32 v1, v3  }
0x56: {  	[tilespmem:s4], [sflag:$0x1] =	stream.indirect_vreg.gather [hbm4b:s6+s3], $0x80, v4, vm0, $0xb8;
	[tilespmem:$0x18200] =	vst v63  }
0x57: {  	s29 =	simm.s32 $0x9A00  }
0x58: {  	[tilespmem:s29], [sflag:$0x1] =	stream.indirect_vreg.gather [hbm4b:s7+s3], $0x80, v4, vm0, $0xb8;
	[tilespmem:$0x18200] =	vst v63  }
0x59: {  	s30 =	simm.s32 $0xA200  }
0x5a: {  	[tilespmem:s30], [sflag:$0x1] =	stream.indirect_vreg.gather [hbm4b:s2+s3], $0x80, v3, vm0, $0xb8;
	[tilespmem:$0x18200] =	vst v63  }
0x5b: {  	s31 =	simm.s32 $0xAA00  }
0x5c: {  	[tilespmem:s31], [sflag:$0x1] =	stream.indirect_vreg.gather [hbm4b:s5+s3], $0x80, v3, vm0, $0xb8;
	[tilespmem:$0x18200] =	vst v63  }
0x5d: {  	s4 =	simm.s32 $0xB200  }
0x5e: {  	[tilespmem:s4], [sflag:$0x1] =	stream.indirect_vreg.gather [hbm4b:s6+s3], $0x80, v3, vm0, $0xb8;
	[tilespmem:$0x18200] =	vst v63  }
0x5f: {  	s29 =	simm.s32 $0xBA00  }
0x60: {  	[tilespmem:s29], [sflag:$0x1] =	stream.indirect_vreg.gather [hbm4b:s7+s3], $0x80, v3, vm0, $0xb8;
	[tilespmem:$0x18200] =	vst v63  }
0x61: {  	v3 =	vld [tilespmem:$0x30];
	_ =	sdelay $0x4  }
0x62: {  	v35 =	vshll.u32 v3, $0x3  }
0x63: {  	v3 =	vand.u32 $0x7, v3;
	v4 =	vand.u32 $0xFFFFFFC0, v35  }
0x64: {  	v3 =	vor.u32 v3, v4  }
0x65: {  	v4 =	vperm.xlane v3, v0;
	_ =	sdelay $0x1  }
0x66: {  	v4 =	vadd.s32 v1, v4;
	_ =	sdelay $0x3  }
0x67: {  	s30 =	simm.s32 $0xC200  }
0x68: {  	[tilespmem:s30], [sflag:$0x1] =	stream.indirect_vreg.gather [hbm4b:s2+s3], $0x80, v4, vm0, $0xb8;
	[tilespmem:$0x18200] =	vst v63  }
0x69: {  	s31 =	simm.s32 $0xCA00;
	v3 =	vperm.xlane v3, v2  }
0x6a: {  	[tilespmem:s31], [sflag:$0x1] =	stream.indirect_vreg.gather [hbm4b:s5+s3], $0x80, v4, vm0, $0xb8;
	[tilespmem:$0x18200] =	vst v63  }
0x6b: {  	s4 =	simm.s32 $0xD200;
	v3 =	vadd.s32 v1, v3  }
0x6c: {  	[tilespmem:s4], [sflag:$0x1] =	stream.indirect_vreg.gather [hbm4b:s6+s3], $0x80, v4, vm0, $0xb8;
	[tilespmem:$0x18200] =	vst v63  }
0x6d: {  	s4 =	simm.s32 $0xDA00  }
0x6e: {  	[tilespmem:s4], [sflag:$0x1] =	stream.indirect_vreg.gather [hbm4b:s7+s3], $0x80, v4, vm0, $0xb8;
	[tilespmem:$0x18200] =	vst v63  }
0x6f: {  	s4 =	simm.s32 $0xE200  }
0x70: {  	[tilespmem:s4], [sflag:$0x1] =	stream.indirect_vreg.gather [hbm4b:s2+s3], $0x80, v3, vm0, $0xb8;
	[tilespmem:$0x18200] =	vst v63  }
0x71: {  	s4 =	simm.s32 $0xEA00  }
0x72: {  	[tilespmem:s4], [sflag:$0x1] =	stream.indirect_vreg.gather [hbm4b:s5+s3], $0x80, v3, vm0, $0xb8;
	[tilespmem:$0x18200] =	vst v63  }
0x73: {  	s4 =	simm.s32 $0xF200  }
0x74: {  	[tilespmem:s4], [sflag:$0x1] =	stream.indirect_vreg.gather [hbm4b:s6+s3], $0x80, v3, vm0, $0xb8;
	[tilespmem:$0x18200] =	vst v63  }
0x75: {  	s4 =	simm.s32 $0xFA00  }
0x76: {  	[tilespmem:s4], [sflag:$0x1] =	stream.indirect_vreg.gather [hbm4b:s7+s3], $0x80, v3, vm0, $0xb8;
	[tilespmem:$0x18200] =	vst v63  }
0x77: {  	_ =	swait.ge [sflag:s10], $0x8000  }
0x78: {  	[sflag:s10] =	ssyncset.done $0x0  }
0x79: {  	[sflag:s10] =	ssyncadd.s32 $0xFFFF8000  }
0x7a: {  	v3 =	vld [tilespmem:$0x40];
	_ =	sdelay $0x4  }
0x7b: {  	v36 =	vshll.u32 v3, $0x3  }
0x7c: {  	v3 =	vand.u32 $0x7, v3;
	v4 =	vand.u32 $0xFFFFFFC0, v36  }
0x7d: {  	v3 =	vor.u32 v3, v4  }
0x7e: {  	v4 =	vperm.xlane v3, v0;
	_ =	sdelay $0x1  }
0x7f: {  	v4 =	vadd.s32 v1, v4;
	_ =	sdelay $0x3  }
0x80: {  	s4 =	simm.s32 $0x10200  }
0x81: {  	[tilespmem:s4], [sflag:$0x1] =	stream.indirect_vreg.gather [hbm4b:s2+s3], $0x80, v4, vm0, $0xb8;
	[tilespmem:$0x18200] =	vst v63  }
0x82: {  	s1 =	simm.s32 $0x10A00;
	v3 =	vperm.xlane v3, v2  }
0x83: {  	[tilespmem:s1], [sflag:$0x1] =	stream.indirect_vreg.gather [hbm4b:s5+s3], $0x80, v4, vm0, $0xb8;
	[tilespmem:$0x18200] =	vst v63  }
0x84: {  	v3 =	vadd.s32 v1, v3;
	s1 =	simm.s32 $0x11200  }
0x85: {  	[tilespmem:s1], [sflag:$0x1] =	stream.indirect_vreg.gather [hbm4b:s6+s3], $0x80, v4, vm0, $0xb8;
	[tilespmem:$0x18200] =	vst v63  }
0x86: {  	s1 =	simm.s32 $0x11A00  }
0x87: {  	[tilespmem:s1], [sflag:$0x1] =	stream.indirect_vreg.gather [hbm4b:s7+s3], $0x80, v4, vm0, $0xb8;
	[tilespmem:$0x18200] =	vst v63  }
0x88: {  	s1 =	simm.s32 $0x12200  }
0x89: {  	[tilespmem:s1], [sflag:$0x1] =	stream.indirect_vreg.gather [hbm4b:s2+s3], $0x80, v3, vm0, $0xb8;
	[tilespmem:$0x18200] =	vst v63  }
0x8a: {  	s1 =	simm.s32 $0x12A00  }
0x8b: {  	[tilespmem:s1], [sflag:$0x1] =	stream.indirect_vreg.gather [hbm4b:s5+s3], $0x80, v3, vm0, $0xb8;
	[tilespmem:$0x18200] =	vst v63  }
0x8c: {  	s1 =	simm.s32 $0x13200  }
0x8d: {  	[tilespmem:s1], [sflag:$0x1] =	stream.indirect_vreg.gather [hbm4b:s6+s3], $0x80, v3, vm0, $0xb8;
	[tilespmem:$0x18200] =	vst v63  }
0x8e: {  	s1 =	simm.s32 $0x13A00  }
0x8f: {  	[tilespmem:s1], [sflag:$0x1] =	stream.indirect_vreg.gather [hbm4b:s7+s3], $0x80, v3, vm0, $0xb8;
	[tilespmem:$0x18200] =	vst v63  }
0x90: {  	v3 =	vld [tilespmem:$0x50];
	_ =	sdelay $0x4  }
0x91: {  	v37 =	vshll.u32 v3, $0x3  }
0x92: {  	v3 =	vand.u32 $0x7, v3;
	v4 =	vand.u32 $0xFFFFFFC0, v37  }
0x93: {  	v3 =	vor.u32 v3, v4  }
0x94: {  	v4 =	vperm.xlane v3, v0;
	_ =	sdelay $0x1  }
0x95: {  	v4 =	vadd.s32 v1, v4;
	_ =	sdelay $0x3  }
0x96: {  	s1 =	simm.s32 $0x14200  }
0x97: {  	[tilespmem:s1], [sflag:$0x1] =	stream.indirect_vreg.gather [hbm4b:s2+s3], $0x80, v4, vm0, $0xb8;
	[tilespmem:$0x18200] =	vst v63  }
0x98: {  	v3 =	vperm.xlane v3, v2;
	s1 =	simm.s32 $0x14A00  }
0x99: {  	[tilespmem:s1], [sflag:$0x1] =	stream.indirect_vreg.gather [hbm4b:s5+s3], $0x80, v4, vm0, $0xb8;
	[tilespmem:$0x18200] =	vst v63  }
0x9a: {  	v3 =	vadd.s32 v1, v3;
	s1 =	simm.s32 $0x15200  }
0x9b: {  	[tilespmem:s1], [sflag:$0x1] =	stream.indirect_vreg.gather [hbm4b:s6+s3], $0x80, v4, vm0, $0xb8;
	[tilespmem:$0x18200] =	vst v63  }
0x9c: {  	s1 =	simm.s32 $0x15A00  }
0x9d: {  	[tilespmem:s1], [sflag:$0x1] =	stream.indirect_vreg.gather [hbm4b:s7+s3], $0x80, v4, vm0, $0xb8;
	[tilespmem:$0x18200] =	vst v63  }
0x9e: {  	s1 =	simm.s32 $0x16200  }
0x9f: {  	[tilespmem:s1], [sflag:$0x1] =	stream.indirect_vreg.gather [hbm4b:s2+s3], $0x80, v3, vm0, $0xb8;
	[tilespmem:$0x18200] =	vst v63  }
0xa0: {  	s1 =	simm.s32 $0x16A00  }
0xa1: {  	[tilespmem:s1], [sflag:$0x1] =	stream.indirect_vreg.gather [hbm4b:s5+s3], $0x80, v3, vm0, $0xb8;
	[tilespmem:$0x18200] =	vst v63  }
0xa2: {  	s1 =	simm.s32 $0x17200  }
0xa3: {  	[tilespmem:s1], [sflag:$0x1] =	stream.indirect_vreg.gather [hbm4b:s6+s3], $0x80, v3, vm0, $0xb8;
	[tilespmem:$0x18200] =	vst v63  }
0xa4: {  	s1 =	simm.s32 $0x17A00  }
0xa5: {  	[tilespmem:s1], [sflag:$0x1] =	stream.indirect_vreg.gather [hbm4b:s7+s3], $0x80, v3, vm0, $0xb8;
	[tilespmem:$0x18200] =	vst v63  }
0xa6: {  	s1 =	rddreg [dreg:$0x15]  }
0xa7: {  	[hbm4b:s1+s3] =	stream.linear.scatter [tilespmem:s9], [sflag:$0x2], $0x8000, $0x38;
	[tilespmem:$0x18200] =	vst v63  }
0xa8: {  	_ =	swait.ge [sflag:s10], $0x8000  }
0xa9: {  	[sflag:s10] =	ssyncset.done $0x0  }
0xaa: {  	[sflag:s10] =	ssyncadd.s32 $0xFFFF8000  }
0xab: {  	_ =	swait.ge [sflag:s0], $0x8000  }
0xac: {  	[sflag:s0] =	ssyncset.done $0x0  }
0xad: {  	[sflag:s0] =	ssyncadd.s32 $0xFFFF8000  }
0xae: {  	v3 =	vld [tilespmem:$0x60];
	_ =	sdelay $0x4  }
0xaf: {  	v38 =	vshll.u32 v3, $0x3  }
0xb0: {  	v3 =	vand.u32 $0x7, v3;
	v4 =	vand.u32 $0xFFFFFFC0, v38  }
0xb1: {  	v3 =	vor.u32 v3, v4  }
0xb2: {  	v4 =	vperm.xlane v3, v0;
	_ =	sdelay $0x1  }
0xb3: {  	v4 =	vadd.s32 v1, v4;
	_ =	sdelay $0x4  }
0xb4: {  	[tilespmem:s9], [sflag:$0x1] =	stream.indirect_vreg.gather [hbm4b:s2+s3], $0x80, v4, vm0, $0xb8;
	[tilespmem:$0x18200] =	vst v63  }
0xb5: {  	s16 =	simm.s32 $0xA00;
	v3 =	vperm.xlane v3, v2  }
0xb6: {  	[tilespmem:s16], [sflag:$0x1] =	stream.indirect_vreg.gather [hbm4b:s5+s3], $0x80, v4, vm0, $0xb8;
	[tilespmem:$0x18200] =	vst v63  }
0xb7: {  	s26 =	simm.s32 $0x1200;
	v3 =	vadd.s32 v1, v3  }
0xb8: {  	[tilespmem:s26], [sflag:$0x1] =	stream.indirect_vreg.gather [hbm4b:s6+s3], $0x80, v4, vm0, $0xb8;
	[tilespmem:$0x18200] =	vst v63  }
0xb9: {  	s23 =	simm.s32 $0x1A00  }
0xba: {  	[tilespmem:s23], [sflag:$0x1] =	stream.indirect_vreg.gather [hbm4b:s7+s3], $0x80, v4, vm0, $0xb8;
	[tilespmem:$0x18200] =	vst v63  }
0xbb: {  	s24 =	simm.s32 $0x2200  }
0xbc: {  	[tilespmem:s24], [sflag:$0x1] =	stream.indirect_vreg.gather [hbm4b:s2+s3], $0x80, v3, vm0, $0xb8;
	[tilespmem:$0x18200] =	vst v63  }
0xbd: {  	s25 =	simm.s32 $0x2A00  }
0xbe: {  	[tilespmem:s25], [sflag:$0x1] =	stream.indirect_vreg.gather [hbm4b:s5+s3], $0x80, v3, vm0, $0xb8;
	[tilespmem:$0x18200] =	vst v63  }
0xbf: {  	s22 =	simm.s32 $0x3200  }
0xc0: {  	[tilespmem:s22], [sflag:$0x1] =	stream.indirect_vreg.gather [hbm4b:s6+s3], $0x80, v3, vm0, $0xb8;
	[tilespmem:$0x18200] =	vst v63  }
0xc1: {  	s17 =	simm.s32 $0x3A00  }
0xc2: {  	[tilespmem:s17], [sflag:$0x1] =	stream.indirect_vreg.gather [hbm4b:s7+s3], $0x80, v3, vm0, $0xb8;
	[tilespmem:$0x18200] =	vst v63  }
0xc3: {  	v3 =	vld [tilespmem:$0x70];
	_ =	sdelay $0x4  }
0xc4: {  	v39 =	vshll.u32 v3, $0x3  }
0xc5: {  	v3 =	vand.u32 $0x7, v3;
	v4 =	vand.u32 $0xFFFFFFC0, v39  }
0xc6: {  	v3 =	vor.u32 v3, v4  }
0xc7: {  	v4 =	vperm.xlane v3, v0;
	_ =	sdelay $0x1  }
0xc8: {  	v4 =	vadd.s32 v1, v4;
	_ =	sdelay $0x3  }
0xc9: {  	s18 =	simm.s32 $0x4200  }
0xca: {  	[tilespmem:s18], [sflag:$0x1] =	stream.indirect_vreg.gather [hbm4b:s2+s3], $0x80, v4, vm0, $0xb8;
	[tilespmem:$0x18200] =	vst v63  }
0xcb: {  	s19 =	simm.s32 $0x4A00;
	v3 =	vperm.xlane v3, v2  }
0xcc: {  	[tilespmem:s19], [sflag:$0x1] =	stream.indirect_vreg.gather [hbm4b:s5+s3], $0x80, v4, vm0, $0xb8;
	[tilespmem:$0x18200] =	vst v63  }
0xcd: {  	s11 =	simm.s32 $0x5200;
	v3 =	vadd.s32 v1, v3  }
0xce: {  	[tilespmem:s11], [sflag:$0x1] =	stream.indirect_vreg.gather [hbm4b:s6+s3], $0x80, v4, vm0, $0xb8;
	[tilespmem:$0x18200] =	vst v63  }
0xcf: {  	s12 =	simm.s32 $0x5A00  }
0xd0: {  	[tilespmem:s12], [sflag:$0x1] =	stream.indirect_vreg.gather [hbm4b:s7+s3], $0x80, v4, vm0, $0xb8;
	[tilespmem:$0x18200] =	vst v63  }
0xd1: {  	s13 =	simm.s32 $0x6200  }
0xd2: {  	[tilespmem:s13], [sflag:$0x1] =	stream.indirect_vreg.gather [hbm4b:s2+s3], $0x80, v3, vm0, $0xb8;
	[tilespmem:$0x18200] =	vst v63  }
0xd3: {  	s14 =	simm.s32 $0x6A00  }
0xd4: {  	[tilespmem:s14], [sflag:$0x1] =	stream.indirect_vreg.gather [hbm4b:s5+s3], $0x80, v3, vm0, $0xb8;
	[tilespmem:$0x18200] =	vst v63  }
0xd5: {  	s15 =	simm.s32 $0x7200  }
0xd6: {  	[tilespmem:s15], [sflag:$0x1] =	stream.indirect_vreg.gather [hbm4b:s6+s3], $0x80, v3, vm0, $0xb8;
	[tilespmem:$0x18200] =	vst v63  }
0xd7: {  	s20 =	simm.s32 $0x7A00  }
0xd8: {  	[tilespmem:s20], [sflag:$0x1] =	stream.indirect_vreg.gather [hbm4b:s7+s3], $0x80, v3, vm0, $0xb8;
	[tilespmem:$0x18200] =	vst v63  }
0xd9: {  	s24 =	rddreg [dreg:$0x5]  }
0xda: {  	[hbm4b:s24+s3] =	stream.linear.scatter [tilespmem:s28], [sflag:$0x2], $0x8000, $0x38;
	[tilespmem:$0x18200] =	vst v63  }
0xdb: {  	_ =	swait.ge [sflag:s10], $0x8000  }
0xdc: {  	[sflag:s10] =	ssyncset.done $0x0  }
0xdd: {  	[sflag:s10] =	ssyncadd.s32 $0xFFFF8000  }
0xde: {  	_ =	swait.ge [sflag:s0], $0x8000  }
0xdf: {  	[sflag:s0] =	ssyncset.done $0x0  }
0xe0: {  	[sflag:s0] =	ssyncadd.s32 $0xFFFF8000  }
0xe1: {  	v3 =	vld [tilespmem:$0x80];
	_ =	sdelay $0x4  }
0xe2: {  	v40 =	vshll.u32 v3, $0x3  }
0xe3: {  	v3 =	vand.u32 $0x7, v3;
	v4 =	vand.u32 $0xFFFFFFC0, v40  }
0xe4: {  	v3 =	vor.u32 v3, v4  }
0xe5: {  	v4 =	vperm.xlane v3, v0;
	_ =	sdelay $0x1  }
0xe6: {  	v4 =	vadd.s32 v1, v4;
	_ =	sdelay $0x4  }
0xe7: {  	[tilespmem:s28], [sflag:$0x1] =	stream.indirect_vreg.gather [hbm4b:s2+s3], $0x80, v4, vm0, $0xb8;
	[tilespmem:$0x18200] =	vst v63  }
0xe8: {  	s21 =	simm.s32 $0x8A00;
	v3 =	vperm.xlane v3, v2  }
0xe9: {  	[tilespmem:s21], [sflag:$0x1] =	stream.indirect_vreg.gather [hbm4b:s5+s3], $0x80, v4, vm0, $0xb8;
	[tilespmem:$0x18200] =	vst v63  }
0xea: {  	v3 =	vadd.s32 v1, v3;
	s21 =	simm.s32 $0x9200  }
0xeb: {  	[tilespmem:s21], [sflag:$0x1] =	stream.indirect_vreg.gather [hbm4b:s6+s3], $0x80, v4, vm0, $0xb8;
	[tilespmem:$0x18200] =	vst v63  }
0xec: {  	s24 =	simm.s32 $0x9A00  }
0xed: {  	[tilespmem:s24], [sflag:$0x1] =	stream.indirect_vreg.gather [hbm4b:s7+s3], $0x80, v4, vm0, $0xb8;
	[tilespmem:$0x18200] =	vst v63  }
0xee: {  	s20 =	simm.s32 $0xA200  }
0xef: {  	[tilespmem:s20], [sflag:$0x1] =	stream.indirect_vreg.gather [hbm4b:s2+s3], $0x80, v3, vm0, $0xb8;
	[tilespmem:$0x18200] =	vst v63  }
0xf0: {  	s21 =	simm.s32 $0xAA00  }
0xf1: {  	[tilespmem:s21], [sflag:$0x1] =	stream.indirect_vreg.gather [hbm4b:s5+s3], $0x80, v3, vm0, $0xb8;
	[tilespmem:$0x18200] =	vst v63  }
0xf2: {  	s24 =	simm.s32 $0xB200  }
0xf3: {  	[tilespmem:s24], [sflag:$0x1] =	stream.indirect_vreg.gather [hbm4b:s6+s3], $0x80, v3, vm0, $0xb8;
	[tilespmem:$0x18200] =	vst v63  }
0xf4: {  	s29 =	simm.s32 $0xBA00  }
0xf5: {  	[tilespmem:s29], [sflag:$0x1] =	stream.indirect_vreg.gather [hbm4b:s7+s3], $0x80, v3, vm0, $0xb8;
	[tilespmem:$0x18200] =	vst v63  }
0xf6: {  	v3 =	vld [tilespmem:$0x90];
	_ =	sdelay $0x4  }
0xf7: {  	v41 =	vshll.u32 v3, $0x3  }
0xf8: {  	v3 =	vand.u32 $0x7, v3;
	v4 =	vand.u32 $0xFFFFFFC0, v41  }
0xf9: {  	v3 =	vor.u32 v3, v4  }
0xfa: {  	v4 =	vperm.xlane v3, v0;
	_ =	sdelay $0x1  }
0xfb: {  	v4 =	vadd.s32 v1, v4;
	_ =	sdelay $0x3  }
0xfc: {  	s30 =	simm.s32 $0xC200  }
0xfd: {  	[tilespmem:s30], [sflag:$0x1] =	stream.indirect_vreg.gather [hbm4b:s2+s3], $0x80, v4, vm0, $0xb8;
	[tilespmem:$0x18200] =	vst v63  }
0xfe: {  	s31 =	simm.s32 $0xCA00;
	v3 =	vperm.xlane v3, v2  }
0xff: {  	[tilespmem:s31], [sflag:$0x1] =	stream.indirect_vreg.gather [hbm4b:s5+s3], $0x80, v4, vm0, $0xb8;
	[tilespmem:$0x18200] =	vst v63  }
0x100: {  	s20 =	simm.s32 $0xD200;
	v3 =	vadd.s32 v1, v3  }
0x101: {  	[tilespmem:s20], [sflag:$0x1] =	stream.indirect_vreg.gather [hbm4b:s6+s3], $0x80, v4, vm0, $0xb8;
	[tilespmem:$0x18200] =	vst v63  }
0x102: {  	s21 =	simm.s32 $0xDA00  }
0x103: {  	[tilespmem:s21], [sflag:$0x1] =	stream.indirect_vreg.gather [hbm4b:s7+s3], $0x80, v4, vm0, $0xb8;
	[tilespmem:$0x18200] =	vst v63  }
0x104: {  	s24 =	simm.s32 $0xE200  }
0x105: {  	[tilespmem:s24], [sflag:$0x1] =	stream.indirect_vreg.gather [hbm4b:s2+s3], $0x80, v3, vm0, $0xb8;
	[tilespmem:$0x18200] =	vst v63  }
0x106: {  	s29 =	simm.s32 $0xEA00  }
0x107: {  	[tilespmem:s29], [sflag:$0x1] =	stream.indirect_vreg.gather [hbm4b:s5+s3], $0x80, v3, vm0, $0xb8;
	[tilespmem:$0x18200] =	vst v63  }
0x108: {  	s30 =	simm.s32 $0xF200  }
0x109: {  	[tilespmem:s30], [sflag:$0x1] =	stream.indirect_vreg.gather [hbm4b:s6+s3], $0x80, v3, vm0, $0xb8;
	[tilespmem:$0x18200] =	vst v63  }
0x10a: {  	s21 =	simm.s32 $0xFA00  }
0x10b: {  	[tilespmem:s21], [sflag:$0x1] =	stream.indirect_vreg.gather [hbm4b:s7+s3], $0x80, v3, vm0, $0xb8;
	[tilespmem:$0x18200] =	vst v63  }
0x10c: {  	s31 =	rddreg [dreg:$0x6]  }
0x10d: {  	[hbm4b:s31+s3] =	stream.linear.scatter [tilespmem:s4], [sflag:$0x2], $0x8000, $0x38;
	[tilespmem:$0x18200] =	vst v63  }
0x10e: {  	_ =	swait.ge [sflag:s10], $0x8000  }
0x10f: {  	[sflag:s10] =	ssyncset.done $0x0  }
0x110: {  	[sflag:s10] =	ssyncadd.s32 $0xFFFF8000  }
0x111: {  	_ =	swait.ge [sflag:s0], $0x8000  }
0x112: {  	[sflag:s0] =	ssyncset.done $0x0  }
0x113: {  	[sflag:s0] =	ssyncadd.s32 $0xFFFF8000  }
0x114: {  	v3 =	vld [tilespmem:$0xA0];
	_ =	sdelay $0x4  }
0x115: {  	v42 =	vshll.u32 v3, $0x3  }
0x116: {  	v3 =	vand.u32 $0x7, v3;
	v4 =	vand.u32 $0xFFFFFFC0, v42  }
0x117: {  	v3 =	vor.u32 v3, v4  }
0x118: {  	v4 =	vperm.xlane v3, v0;
	_ =	sdelay $0x1  }
0x119: {  	v4 =	vadd.s32 v1, v4;
	_ =	sdelay $0x4  }
0x11a: {  	[tilespmem:s4], [sflag:$0x1] =	stream.indirect_vreg.gather [hbm4b:s2+s3], $0x80, v4, vm0, $0xb8;
	[tilespmem:$0x18200] =	vst v63  }
0x11b: {  	s24 =	simm.s32 $0x10A00;
	v3 =	vperm.xlane v3, v2  }
0x11c: {  	[tilespmem:s24], [sflag:$0x1] =	stream.indirect_vreg.gather [hbm4b:s5+s3], $0x80, v4, vm0, $0xb8;
	[tilespmem:$0x18200] =	vst v63  }
0x11d: {  	s29 =	simm.s32 $0x11200;
	v3 =	vadd.s32 v1, v3  }
0x11e: {  	[tilespmem:s29], [sflag:$0x1] =	stream.indirect_vreg.gather [hbm4b:s6+s3], $0x80, v4, vm0, $0xb8;
	[tilespmem:$0x18200] =	vst v63  }
0x11f: {  	s30 =	simm.s32 $0x11A00  }
0x120: {  	[tilespmem:s30], [sflag:$0x1] =	stream.indirect_vreg.gather [hbm4b:s7+s3], $0x80, v4, vm0, $0xb8;
	[tilespmem:$0x18200] =	vst v63  }
0x121: {  	s20 =	simm.s32 $0x12200  }
0x122: {  	[tilespmem:s20], [sflag:$0x1] =	stream.indirect_vreg.gather [hbm4b:s2+s3], $0x80, v3, vm0, $0xb8;
	[tilespmem:$0x18200] =	vst v63  }
0x123: {  	s21 =	simm.s32 $0x12A00  }
0x124: {  	[tilespmem:s21], [sflag:$0x1] =	stream.indirect_vreg.gather [hbm4b:s5+s3], $0x80, v3, vm0, $0xb8;
	[tilespmem:$0x18200] =	vst v63  }
0x125: {  	s24 =	simm.s32 $0x13200  }
0x126: {  	[tilespmem:s24], [sflag:$0x1] =	stream.indirect_vreg.gather [hbm4b:s6+s3], $0x80, v3, vm0, $0xb8;
	[tilespmem:$0x18200] =	vst v63  }
0x127: {  	s30 =	simm.s32 $0x13A00  }
0x128: {  	[tilespmem:s30], [sflag:$0x1] =	stream.indirect_vreg.gather [hbm4b:s7+s3], $0x80, v3, vm0, $0xb8;
	[tilespmem:$0x18200] =	vst v63  }
0x129: {  	v3 =	vld [tilespmem:$0xB0];
	_ =	sdelay $0x4  }
0x12a: {  	v43 =	vshll.u32 v3, $0x3  }
0x12b: {  	v3 =	vand.u32 $0x7, v3;
	v4 =	vand.u32 $0xFFFFFFC0, v43  }
0x12c: {  	v3 =	vor.u32 v3, v4  }
0x12d: {  	v4 =	vperm.xlane v3, v0;
	_ =	sdelay $0x1  }
0x12e: {  	v4 =	vadd.s32 v1, v4;
	_ =	sdelay $0x3  }
0x12f: {  	s20 =	simm.s32 $0x14200  }
0x130: {  	[tilespmem:s20], [sflag:$0x1] =	stream.indirect_vreg.gather [hbm4b:s2+s3], $0x80, v4, vm0, $0xb8;
	[tilespmem:$0x18200] =	vst v63  }
0x131: {  	s21 =	simm.s32 $0x14A00;
	v3 =	vperm.xlane v3, v2  }
0x132: {  	[tilespmem:s21], [sflag:$0x1] =	stream.indirect_vreg.gather [hbm4b:s5+s3], $0x80, v4, vm0, $0xb8;
	[tilespmem:$0x18200] =	vst v63  }
0x133: {  	s24 =	simm.s32 $0x15200;
	v3 =	vadd.s32 v1, v3  }
0x134: {  	[tilespmem:s24], [sflag:$0x1] =	stream.indirect_vreg.gather [hbm4b:s6+s3], $0x80, v4, vm0, $0xb8;
	[tilespmem:$0x18200] =	vst v63  }
0x135: {  	s30 =	simm.s32 $0x15A00  }
0x136: {  	[tilespmem:s30], [sflag:$0x1] =	stream.indirect_vreg.gather [hbm4b:s7+s3], $0x80, v4, vm0, $0xb8;
	[tilespmem:$0x18200] =	vst v63  }
0x137: {  	s20 =	simm.s32 $0x16200  }
0x138: {  	[tilespmem:s20], [sflag:$0x1] =	stream.indirect_vreg.gather [hbm4b:s2+s3], $0x80, v3, vm0, $0xb8;
	[tilespmem:$0x18200] =	vst v63  }
0x139: {  	s21 =	simm.s32 $0x16A00  }
0x13a: {  	[tilespmem:s21], [sflag:$0x1] =	stream.indirect_vreg.gather [hbm4b:s5+s3], $0x80, v3, vm0, $0xb8;
	[tilespmem:$0x18200] =	vst v63  }
0x13b: {  	s24 =	simm.s32 $0x17200  }
0x13c: {  	[tilespmem:s24], [sflag:$0x1] =	stream.indirect_vreg.gather [hbm4b:s6+s3], $0x80, v3, vm0, $0xb8;
	[tilespmem:$0x18200] =	vst v63  }
0x13d: {  	s21 =	simm.s32 $0x17A00  }
0x13e: {  	[tilespmem:s21], [sflag:$0x1] =	stream.indirect_vreg.gather [hbm4b:s7+s3], $0x80, v3, vm0, $0xb8;
	[tilespmem:$0x18200] =	vst v63  }
0x13f: {  	s30 =	rddreg [dreg:$0x7]  }
0x140: {  	[hbm4b:s30+s3] =	stream.linear.scatter [tilespmem:s9], [sflag:$0x2], $0x8000, $0x38;
	[tilespmem:$0x18200] =	vst v63  }
0x141: {  	_ =	swait.ge [sflag:s10], $0x8000  }
0x142: {  	[sflag:s10] =	ssyncset.done $0x0  }
0x143: {  	[sflag:s10] =	ssyncadd.s32 $0xFFFF8000  }
0x144: {  	_ =	swait.ge [sflag:s0], $0x8000  }
0x145: {  	[sflag:s0] =	ssyncset.done $0x0  }
0x146: {  	[sflag:s0] =	ssyncadd.s32 $0xFFFF8000  }
0x147: {  	v3 =	vld [tilespmem:$0xC0];
	_ =	sdelay $0x4  }
0x148: {  	v44 =	vshll.u32 v3, $0x3  }
0x149: {  	v3 =	vand.u32 $0x7, v3;
	v4 =	vand.u32 $0xFFFFFFC0, v44  }
0x14a: {  	v3 =	vor.u32 v3, v4  }
0x14b: {  	v4 =	vperm.xlane v3, v0;
	_ =	sdelay $0x1  }
0x14c: {  	v4 =	vadd.s32 v1, v4;
	_ =	sdelay $0x4  }
0x14d: {  	[tilespmem:s9], [sflag:$0x1] =	stream.indirect_vreg.gather [hbm4b:s2+s3], $0x80, v4, vm0, $0xb8;
	[tilespmem:$0x18200] =	vst v63  }
0x14e: {  	s24 =	simm.s32 $0xA00;
	v3 =	vperm.xlane v3, v2  }
0x14f: {  	[tilespmem:s24], [sflag:$0x1] =	stream.indirect_vreg.gather [hbm4b:s5+s3], $0x80, v4, vm0, $0xb8;
	[tilespmem:$0x18200] =	vst v63  }
0x150: {  	s16 =	simm.s32 $0x1200;
	v3 =	vadd.s32 v1, v3  }
0x151: {  	[tilespmem:s16], [sflag:$0x1] =	stream.indirect_vreg.gather [hbm4b:s6+s3], $0x80, v4, vm0, $0xb8;
	[tilespmem:$0x18200] =	vst v63  }
0x152: {  	s30 =	simm.s32 $0x1A00  }
0x153: {  	[tilespmem:s30], [sflag:$0x1] =	stream.indirect_vreg.gather [hbm4b:s7+s3], $0x80, v4, vm0, $0xb8;
	[tilespmem:$0x18200] =	vst v63  }
0x154: {  	s23 =	simm.s32 $0x2200  }
0x155: {  	[tilespmem:s23], [sflag:$0x1] =	stream.indirect_vreg.gather [hbm4b:s2+s3], $0x80, v3, vm0, $0xb8;
	[tilespmem:$0x18200] =	vst v63  }
0x156: {  	s25 =	simm.s32 $0x2A00  }
0x157: {  	[tilespmem:s25], [sflag:$0x1] =	stream.indirect_vreg.gather [hbm4b:s5+s3], $0x80, v3, vm0, $0xb8;
	[tilespmem:$0x18200] =	vst v63  }
0x158: {  	s26 =	simm.s32 $0x3200  }
0x159: {  	[tilespmem:s26], [sflag:$0x1] =	stream.indirect_vreg.gather [hbm4b:s6+s3], $0x80, v3, vm0, $0xb8;
	[tilespmem:$0x18200] =	vst v63  }
0x15a: {  	s17 =	simm.s32 $0x3A00  }
0x15b: {  	[tilespmem:s17], [sflag:$0x1] =	stream.indirect_vreg.gather [hbm4b:s7+s3], $0x80, v3, vm0, $0xb8;
	[tilespmem:$0x18200] =	vst v63  }
0x15c: {  	v3 =	vld [tilespmem:$0xD0];
	_ =	sdelay $0x4  }
0x15d: {  	v45 =	vshll.u32 v3, $0x3  }
0x15e: {  	v3 =	vand.u32 $0x7, v3;
	v4 =	vand.u32 $0xFFFFFFC0, v45  }
0x15f: {  	v3 =	vor.u32 v3, v4  }
0x160: {  	v4 =	vperm.xlane v3, v0;
	_ =	sdelay $0x1  }
0x161: {  	v4 =	vadd.s32 v1, v4;
	_ =	sdelay $0x3  }
0x162: {  	s18 =	simm.s32 $0x4200  }
0x163: {  	[tilespmem:s18], [sflag:$0x1] =	stream.indirect_vreg.gather [hbm4b:s2+s3], $0x80, v4, vm0, $0xb8;
	[tilespmem:$0x18200] =	vst v63  }
0x164: {  	s19 =	simm.s32 $0x4A00;
	v3 =	vperm.xlane v3, v2  }
0x165: {  	[tilespmem:s19], [sflag:$0x1] =	stream.indirect_vreg.gather [hbm4b:s5+s3], $0x80, v4, vm0, $0xb8;
	[tilespmem:$0x18200] =	vst v63  }
0x166: {  	s22 =	simm.s32 $0x5200;
	v3 =	vadd.s32 v1, v3  }
0x167: {  	[tilespmem:s22], [sflag:$0x1] =	stream.indirect_vreg.gather [hbm4b:s6+s3], $0x80, v4, vm0, $0xb8;
	[tilespmem:$0x18200] =	vst v63  }
0x168: {  	s11 =	simm.s32 $0x5A00  }
0x169: {  	[tilespmem:s11], [sflag:$0x1] =	stream.indirect_vreg.gather [hbm4b:s7+s3], $0x80, v4, vm0, $0xb8;
	[tilespmem:$0x18200] =	vst v63  }
0x16a: {  	s12 =	simm.s32 $0x6200  }
0x16b: {  	[tilespmem:s12], [sflag:$0x1] =	stream.indirect_vreg.gather [hbm4b:s2+s3], $0x80, v3, vm0, $0xb8;
	[tilespmem:$0x18200] =	vst v63  }
0x16c: {  	s13 =	simm.s32 $0x6A00  }
0x16d: {  	[tilespmem:s13], [sflag:$0x1] =	stream.indirect_vreg.gather [hbm4b:s5+s3], $0x80, v3, vm0, $0xb8;
	[tilespmem:$0x18200] =	vst v63  }
0x16e: {  	s14 =	simm.s32 $0x7200  }
0x16f: {  	[tilespmem:s14], [sflag:$0x1] =	stream.indirect_vreg.gather [hbm4b:s6+s3], $0x80, v3, vm0, $0xb8;
	[tilespmem:$0x18200] =	vst v63  }
0x170: {  	s15 =	simm.s32 $0x7A00  }
0x171: {  	[tilespmem:s15], [sflag:$0x1] =	stream.indirect_vreg.gather [hbm4b:s7+s3], $0x80, v3, vm0, $0xb8;
	[tilespmem:$0x18200] =	vst v63  }
0x172: {  	s1 =	rddreg [dreg:$0x8]  }
0x173: {  	[hbm4b:s1+s3] =	stream.linear.scatter [tilespmem:s28], [sflag:$0x2], $0x8000, $0x38;
	[tilespmem:$0x18200] =	vst v63  }
0x174: {  	_ =	swait.ge [sflag:s10], $0x8000  }
0x175: {  	[sflag:s10] =	ssyncset.done $0x0  }
0x176: {  	[sflag:s10] =	ssyncadd.s32 $0xFFFF8000  }
0x177: {  	_ =	swait.ge [sflag:s0], $0x8000  }
0x178: {  	[sflag:s0] =	ssyncset.done $0x0  }
0x179: {  	[sflag:s0] =	ssyncadd.s32 $0xFFFF8000  }
0x17a: {  	v3 =	vld [tilespmem:$0xE0];
	_ =	sdelay $0x4  }
0x17b: {  	v46 =	vshll.u32 v3, $0x3  }
0x17c: {  	v3 =	vand.u32 $0x7, v3;
	v4 =	vand.u32 $0xFFFFFFC0, v46  }
0x17d: {  	v3 =	vor.u32 v3, v4  }
0x17e: {  	v4 =	vperm.xlane v3, v0;
	_ =	sdelay $0x1  }
0x17f: {  	v4 =	vadd.s32 v1, v4;
	_ =	sdelay $0x4  }
0x180: {  	[tilespmem:s28], [sflag:$0x1] =	stream.indirect_vreg.gather [hbm4b:s2+s3], $0x80, v4, vm0, $0xb8;
	[tilespmem:$0x18200] =	vst v63  }
0x181: {  	s15 =	simm.s32 $0x8A00;
	v3 =	vperm.xlane v3, v2  }
0x182: {  	[tilespmem:s15], [sflag:$0x1] =	stream.indirect_vreg.gather [hbm4b:s5+s3], $0x80, v4, vm0, $0xb8;
	[tilespmem:$0x18200] =	vst v63  }
0x183: {  	v3 =	vadd.s32 v1, v3;
	s15 =	simm.s32 $0x9200  }
0x184: {  	[tilespmem:s15], [sflag:$0x1] =	stream.indirect_vreg.gather [hbm4b:s6+s3], $0x80, v4, vm0, $0xb8;
	[tilespmem:$0x18200] =	vst v63  }
0x185: {  	s15 =	simm.s32 $0x9A00  }
0x186: {  	[tilespmem:s15], [sflag:$0x1] =	stream.indirect_vreg.gather [hbm4b:s7+s3], $0x80, v4, vm0, $0xb8;
	[tilespmem:$0x18200] =	vst v63  }
0x187: {  	s15 =	simm.s32 $0xA200  }
0x188: {  	[tilespmem:s15], [sflag:$0x1] =	stream.indirect_vreg.gather [hbm4b:s2+s3], $0x80, v3, vm0, $0xb8;
	[tilespmem:$0x18200] =	vst v63  }
0x189: {  	s15 =	simm.s32 $0xAA00  }
0x18a: {  	[tilespmem:s15], [sflag:$0x1] =	stream.indirect_vreg.gather [hbm4b:s5+s3], $0x80, v3, vm0, $0xb8;
	[tilespmem:$0x18200] =	vst v63  }
0x18b: {  	s15 =	simm.s32 $0xB200  }
0x18c: {  	[tilespmem:s15], [sflag:$0x1] =	stream.indirect_vreg.gather [hbm4b:s6+s3], $0x80, v3, vm0, $0xb8;
	[tilespmem:$0x18200] =	vst v63  }
0x18d: {  	s15 =	simm.s32 $0xBA00  }
0x18e: {  	[tilespmem:s15], [sflag:$0x1] =	stream.indirect_vreg.gather [hbm4b:s7+s3], $0x80, v3, vm0, $0xb8;
	[tilespmem:$0x18200] =	vst v63  }
0x18f: {  	v3 =	vld [tilespmem:$0xF0];
	_ =	sdelay $0x4  }
0x190: {  	v47 =	vshll.u32 v3, $0x3  }
0x191: {  	v3 =	vand.u32 $0x7, v3;
	v4 =	vand.u32 $0xFFFFFFC0, v47  }
0x192: {  	v3 =	vor.u32 v3, v4  }
0x193: {  	v4 =	vperm.xlane v3, v0;
	_ =	sdelay $0x1  }
0x194: {  	v4 =	vadd.s32 v1, v4;
	_ =	sdelay $0x3  }
0x195: {  	s15 =	simm.s32 $0xC200  }
0x196: {  	[tilespmem:s15], [sflag:$0x1] =	stream.indirect_vreg.gather [hbm4b:s2+s3], $0x80, v4, vm0, $0xb8;
	[tilespmem:$0x18200] =	vst v63  }
0x197: {  	v3 =	vperm.xlane v3, v2;
	s15 =	simm.s32 $0xCA00  }
0x198: {  	[tilespmem:s15], [sflag:$0x1] =	stream.indirect_vreg.gather [hbm4b:s5+s3], $0x80, v4, vm0, $0xb8;
	[tilespmem:$0x18200] =	vst v63  }
0x199: {  	v3 =	vadd.s32 v1, v3;
	s15 =	simm.s32 $0xD200  }
0x19a: {  	[tilespmem:s15], [sflag:$0x1] =	stream.indirect_vreg.gather [hbm4b:s6+s3], $0x80, v4, vm0, $0xb8;
	[tilespmem:$0x18200] =	vst v63  }
0x19b: {  	s15 =	simm.s32 $0xDA00  }
0x19c: {  	[tilespmem:s15], [sflag:$0x1] =	stream.indirect_vreg.gather [hbm4b:s7+s3], $0x80, v4, vm0, $0xb8;
	[tilespmem:$0x18200] =	vst v63  }
0x19d: {  	s15 =	simm.s32 $0xE200  }
0x19e: {  	[tilespmem:s15], [sflag:$0x1] =	stream.indirect_vreg.gather [hbm4b:s2+s3], $0x80, v3, vm0, $0xb8;
	[tilespmem:$0x18200] =	vst v63  }
0x19f: {  	s15 =	simm.s32 $0xEA00  }
0x1a0: {  	[tilespmem:s15], [sflag:$0x1] =	stream.indirect_vreg.gather [hbm4b:s5+s3], $0x80, v3, vm0, $0xb8;
	[tilespmem:$0x18200] =	vst v63  }
0x1a1: {  	s15 =	simm.s32 $0xF200  }
0x1a2: {  	[tilespmem:s15], [sflag:$0x1] =	stream.indirect_vreg.gather [hbm4b:s6+s3], $0x80, v3, vm0, $0xb8;
	[tilespmem:$0x18200] =	vst v63  }
0x1a3: {  	s15 =	simm.s32 $0xFA00  }
0x1a4: {  	[tilespmem:s15], [sflag:$0x1] =	stream.indirect_vreg.gather [hbm4b:s7+s3], $0x80, v3, vm0, $0xb8;
	[tilespmem:$0x18200] =	vst v63  }
0x1a5: {  	s1 =	rddreg [dreg:$0x9]  }
0x1a6: {  	[hbm4b:s1+s3] =	stream.linear.scatter [tilespmem:s4], [sflag:$0x2], $0x8000, $0x38;
	[tilespmem:$0x18200] =	vst v63  }
0x1a7: {  	_ =	swait.ge [sflag:s10], $0x8000  }
0x1a8: {  	[sflag:s10] =	ssyncset.done $0x0  }
0x1a9: {  	[sflag:s10] =	ssyncadd.s32 $0xFFFF8000  }
0x1aa: {  	_ =	swait.ge [sflag:s0], $0x8000  }
0x1ab: {  	[sflag:s0] =	ssyncset.done $0x0  }
0x1ac: {  	[sflag:s0] =	ssyncadd.s32 $0xFFFF8000  }
0x1ad: {  	v3 =	vld [tilespmem:$0x100];
	_ =	sdelay $0x4  }
0x1ae: {  	v48 =	vshll.u32 v3, $0x3  }
0x1af: {  	v3 =	vand.u32 $0x7, v3;
	v4 =	vand.u32 $0xFFFFFFC0, v48  }
0x1b0: {  	v3 =	vor.u32 v3, v4  }
0x1b1: {  	v4 =	vperm.xlane v3, v0;
	_ =	sdelay $0x1  }
0x1b2: {  	v4 =	vadd.s32 v1, v4;
	_ =	sdelay $0x4  }
0x1b3: {  	[tilespmem:s4], [sflag:$0x1] =	stream.indirect_vreg.gather [hbm4b:s2+s3], $0x80, v4, vm0, $0xb8;
	[tilespmem:$0x18200] =	vst v63  }
0x1b4: {  	s15 =	simm.s32 $0x10A00;
	v3 =	vperm.xlane v3, v2  }
0x1b5: {  	[tilespmem:s15], [sflag:$0x1] =	stream.indirect_vreg.gather [hbm4b:s5+s3], $0x80, v4, vm0, $0xb8;
	[tilespmem:$0x18200] =	vst v63  }
0x1b6: {  	s31 =	simm.s32 $0x11200;
	v3 =	vadd.s32 v1, v3  }
0x1b7: {  	[tilespmem:s31], [sflag:$0x1] =	stream.indirect_vreg.gather [hbm4b:s6+s3], $0x80, v4, vm0, $0xb8;
	[tilespmem:$0x18200] =	vst v63  }
0x1b8: {  	s29 =	simm.s32 $0x11A00  }
0x1b9: {  	[tilespmem:s29], [sflag:$0x1] =	stream.indirect_vreg.gather [hbm4b:s7+s3], $0x80, v4, vm0, $0xb8;
	[tilespmem:$0x18200] =	vst v63  }
0x1ba: {  	s29 =	simm.s32 $0x12200  }
0x1bb: {  	[tilespmem:s29], [sflag:$0x1] =	stream.indirect_vreg.gather [hbm4b:s2+s3], $0x80, v3, vm0, $0xb8;
	[tilespmem:$0x18200] =	vst v63  }
0x1bc: {  	s1 =	simm.s32 $0x12A00  }
0x1bd: {  	[tilespmem:s1], [sflag:$0x1] =	stream.indirect_vreg.gather [hbm4b:s5+s3], $0x80, v3, vm0, $0xb8;
	[tilespmem:$0x18200] =	vst v63  }
0x1be: {  	s1 =	simm.s32 $0x13200  }
0x1bf: {  	[tilespmem:s1], [sflag:$0x1] =	stream.indirect_vreg.gather [hbm4b:s6+s3], $0x80, v3, vm0, $0xb8;
	[tilespmem:$0x18200] =	vst v63  }
0x1c0: {  	s1 =	simm.s32 $0x13A00  }
0x1c1: {  	[tilespmem:s1], [sflag:$0x1] =	stream.indirect_vreg.gather [hbm4b:s7+s3], $0x80, v3, vm0, $0xb8;
	[tilespmem:$0x18200] =	vst v63  }
0x1c2: {  	v3 =	vld [tilespmem:$0x110];
	_ =	sdelay $0x4  }
0x1c3: {  	v49 =	vshll.u32 v3, $0x3  }
0x1c4: {  	v3 =	vand.u32 $0x7, v3;
	v4 =	vand.u32 $0xFFFFFFC0, v49  }
0x1c5: {  	v3 =	vor.u32 v3, v4  }
0x1c6: {  	v4 =	vperm.xlane v3, v0;
	_ =	sdelay $0x1  }
0x1c7: {  	v4 =	vadd.s32 v1, v4;
	_ =	sdelay $0x3  }
0x1c8: {  	s1 =	simm.s32 $0x14200  }
0x1c9: {  	[tilespmem:s1], [sflag:$0x1] =	stream.indirect_vreg.gather [hbm4b:s2+s3], $0x80, v4, vm0, $0xb8;
	[tilespmem:$0x18200] =	vst v63  }
0x1ca: {  	v3 =	vperm.xlane v3, v2;
	s1 =	simm.s32 $0x14A00  }
0x1cb: {  	[tilespmem:s1], [sflag:$0x1] =	stream.indirect_vreg.gather [hbm4b:s5+s3], $0x80, v4, vm0, $0xb8;
	[tilespmem:$0x18200] =	vst v63  }
0x1cc: {  	v3 =	vadd.s32 v1, v3;
	s1 =	simm.s32 $0x15200  }
0x1cd: {  	[tilespmem:s1], [sflag:$0x1] =	stream.indirect_vreg.gather [hbm4b:s6+s3], $0x80, v4, vm0, $0xb8;
	[tilespmem:$0x18200] =	vst v63  }
0x1ce: {  	s1 =	simm.s32 $0x15A00  }
0x1cf: {  	[tilespmem:s1], [sflag:$0x1] =	stream.indirect_vreg.gather [hbm4b:s7+s3], $0x80, v4, vm0, $0xb8;
	[tilespmem:$0x18200] =	vst v63  }
0x1d0: {  	s1 =	simm.s32 $0x16200  }
0x1d1: {  	[tilespmem:s1], [sflag:$0x1] =	stream.indirect_vreg.gather [hbm4b:s2+s3], $0x80, v3, vm0, $0xb8;
	[tilespmem:$0x18200] =	vst v63  }
0x1d2: {  	s1 =	simm.s32 $0x16A00  }
0x1d3: {  	[tilespmem:s1], [sflag:$0x1] =	stream.indirect_vreg.gather [hbm4b:s5+s3], $0x80, v3, vm0, $0xb8;
	[tilespmem:$0x18200] =	vst v63  }
0x1d4: {  	s1 =	simm.s32 $0x17200  }
0x1d5: {  	[tilespmem:s1], [sflag:$0x1] =	stream.indirect_vreg.gather [hbm4b:s6+s3], $0x80, v3, vm0, $0xb8;
	[tilespmem:$0x18200] =	vst v63  }
0x1d6: {  	s20 =	simm.s32 $0x17A00  }
0x1d7: {  	[tilespmem:s20], [sflag:$0x1] =	stream.indirect_vreg.gather [hbm4b:s7+s3], $0x80, v3, vm0, $0xb8;
	[tilespmem:$0x18200] =	vst v63  }
0x1d8: {  	s1 =	rddreg [dreg:$0xa]  }
0x1d9: {  	[hbm4b:s1+s3] =	stream.linear.scatter [tilespmem:s9], [sflag:$0x2], $0x8000, $0x38;
	[tilespmem:$0x18200] =	vst v63  }
0x1da: {  	_ =	swait.ge [sflag:s10], $0x8000  }
0x1db: {  	[sflag:s10] =	ssyncset.done $0x0  }
0x1dc: {  	[sflag:s10] =	ssyncadd.s32 $0xFFFF8000  }
0x1dd: {  	_ =	swait.ge [sflag:s0], $0x8000  }
0x1de: {  	[sflag:s0] =	ssyncset.done $0x0  }
0x1df: {  	[sflag:s0] =	ssyncadd.s32 $0xFFFF8000  }
0x1e0: {  	v3 =	vld [tilespmem:$0x120];
	_ =	sdelay $0x4  }
0x1e1: {  	v50 =	vshll.u32 v3, $0x3  }
0x1e2: {  	v3 =	vand.u32 $0x7, v3;
	v4 =	vand.u32 $0xFFFFFFC0, v50  }
0x1e3: {  	v3 =	vor.u32 v3, v4  }
0x1e4: {  	v4 =	vperm.xlane v3, v0;
	_ =	sdelay $0x1  }
0x1e5: {  	v4 =	vadd.s32 v1, v4;
	_ =	sdelay $0x4  }
0x1e6: {  	[tilespmem:s9], [sflag:$0x1] =	stream.indirect_vreg.gather [hbm4b:s2+s3], $0x80, v4, vm0, $0xb8;
	[tilespmem:$0x18200] =	vst v63  }
0x1e7: {  	s21 =	simm.s32 $0xA00;
	v3 =	vperm.xlane v3, v2  }
0x1e8: {  	[tilespmem:s21], [sflag:$0x1] =	stream.indirect_vreg.gather [hbm4b:s5+s3], $0x80, v4, vm0, $0xb8;
	[tilespmem:$0x18200] =	vst v63  }
0x1e9: {  	s16 =	simm.s32 $0x1200;
	v3 =	vadd.s32 v1, v3  }
0x1ea: {  	[tilespmem:s16], [sflag:$0x1] =	stream.indirect_vreg.gather [hbm4b:s6+s3], $0x80, v4, vm0, $0xb8;
	[tilespmem:$0x18200] =	vst v63  }
0x1eb: {  	s24 =	simm.s32 $0x1A00  }
0x1ec: {  	[tilespmem:s24], [sflag:$0x1] =	stream.indirect_vreg.gather [hbm4b:s7+s3], $0x80, v4, vm0, $0xb8;
	[tilespmem:$0x18200] =	vst v63  }
0x1ed: {  	s23 =	simm.s32 $0x2200  }
0x1ee: {  	[tilespmem:s23], [sflag:$0x1] =	stream.indirect_vreg.gather [hbm4b:s2+s3], $0x80, v3, vm0, $0xb8;
	[tilespmem:$0x18200] =	vst v63  }
0x1ef: {  	s30 =	simm.s32 $0x2A00  }
0x1f0: {  	[tilespmem:s30], [sflag:$0x1] =	stream.indirect_vreg.gather [hbm4b:s5+s3], $0x80, v3, vm0, $0xb8;
	[tilespmem:$0x18200] =	vst v63  }
0x1f1: {  	s26 =	simm.s32 $0x3200  }
0x1f2: {  	[tilespmem:s26], [sflag:$0x1] =	stream.indirect_vreg.gather [hbm4b:s6+s3], $0x80, v3, vm0, $0xb8;
	[tilespmem:$0x18200] =	vst v63  }
0x1f3: {  	s17 =	simm.s32 $0x3A00  }
0x1f4: {  	[tilespmem:s17], [sflag:$0x1] =	stream.indirect_vreg.gather [hbm4b:s7+s3], $0x80, v3, vm0, $0xb8;
	[tilespmem:$0x18200] =	vst v63  }
0x1f5: {  	v3 =	vld [tilespmem:$0x130];
	_ =	sdelay $0x4  }
0x1f6: {  	v51 =	vshll.u32 v3, $0x3  }
0x1f7: {  	v3 =	vand.u32 $0x7, v3;
	v4 =	vand.u32 $0xFFFFFFC0, v51  }
0x1f8: {  	v3 =	vor.u32 v3, v4  }
0x1f9: {  	v4 =	vperm.xlane v3, v0;
	_ =	sdelay $0x1  }
0x1fa: {  	v4 =	vadd.s32 v1, v4;
	_ =	sdelay $0x3  }
0x1fb: {  	s18 =	simm.s32 $0x4200  }
0x1fc: {  	[tilespmem:s18], [sflag:$0x1] =	stream.indirect_vreg.gather [hbm4b:s2+s3], $0x80, v4, vm0, $0xb8;
	[tilespmem:$0x18200] =	vst v63  }
0x1fd: {  	s19 =	simm.s32 $0x4A00;
	v3 =	vperm.xlane v3, v2  }
0x1fe: {  	[tilespmem:s19], [sflag:$0x1] =	stream.indirect_vreg.gather [hbm4b:s5+s3], $0x80, v4, vm0, $0xb8;
	[tilespmem:$0x18200] =	vst v63  }
0x1ff: {  	s22 =	simm.s32 $0x5200;
	v3 =	vadd.s32 v1, v3  }
0x200: {  	[tilespmem:s22], [sflag:$0x1] =	stream.indirect_vreg.gather [hbm4b:s6+s3], $0x80, v4, vm0, $0xb8;
	[tilespmem:$0x18200] =	vst v63  }
0x201: {  	s25 =	simm.s32 $0x5A00  }
0x202: {  	[tilespmem:s25], [sflag:$0x1] =	stream.indirect_vreg.gather [hbm4b:s7+s3], $0x80, v4, vm0, $0xb8;
	[tilespmem:$0x18200] =	vst v63  }
0x203: {  	s11 =	simm.s32 $0x6200  }
0x204: {  	[tilespmem:s11], [sflag:$0x1] =	stream.indirect_vreg.gather [hbm4b:s2+s3], $0x80, v3, vm0, $0xb8;
	[tilespmem:$0x18200] =	vst v63  }
0x205: {  	s12 =	simm.s32 $0x6A00  }
0x206: {  	[tilespmem:s12], [sflag:$0x1] =	stream.indirect_vreg.gather [hbm4b:s5+s3], $0x80, v3, vm0, $0xb8;
	[tilespmem:$0x18200] =	vst v63  }
0x207: {  	s13 =	simm.s32 $0x7200  }
0x208: {  	[tilespmem:s13], [sflag:$0x1] =	stream.indirect_vreg.gather [hbm4b:s6+s3], $0x80, v3, vm0, $0xb8;
	[tilespmem:$0x18200] =	vst v63  }
0x209: {  	s14 =	simm.s32 $0x7A00  }
0x20a: {  	[tilespmem:s14], [sflag:$0x1] =	stream.indirect_vreg.gather [hbm4b:s7+s3], $0x80, v3, vm0, $0xb8;
	[tilespmem:$0x18200] =	vst v63  }
0x20b: {  	s11 =	rddreg [dreg:$0xb]  }
0x20c: {  	[hbm4b:s11+s3] =	stream.linear.scatter [tilespmem:s28], [sflag:$0x2], $0x8000, $0x38;
	[tilespmem:$0x18200] =	vst v63  }
0x20d: {  	_ =	swait.ge [sflag:s10], $0x8000  }
0x20e: {  	[sflag:s10] =	ssyncset.done $0x0  }
0x20f: {  	[sflag:s10] =	ssyncadd.s32 $0xFFFF8000  }
0x210: {  	_ =	swait.ge [sflag:s0], $0x8000  }
0x211: {  	[sflag:s0] =	ssyncset.done $0x0  }
0x212: {  	[sflag:s0] =	ssyncadd.s32 $0xFFFF8000  }
0x213: {  	v3 =	vld [tilespmem:$0x140];
	_ =	sdelay $0x4  }
0x214: {  	v52 =	vshll.u32 v3, $0x3  }
0x215: {  	v3 =	vand.u32 $0x7, v3;
	v4 =	vand.u32 $0xFFFFFFC0, v52  }
0x216: {  	v3 =	vor.u32 v3, v4  }
0x217: {  	v4 =	vperm.xlane v3, v0;
	_ =	sdelay $0x1  }
0x218: {  	v4 =	vadd.s32 v1, v4;
	_ =	sdelay $0x4  }
0x219: {  	[tilespmem:s28], [sflag:$0x1] =	stream.indirect_vreg.gather [hbm4b:s2+s3], $0x80, v4, vm0, $0xb8;
	[tilespmem:$0x18200] =	vst v63  }
0x21a: {  	s12 =	simm.s32 $0x8A00;
	v3 =	vperm.xlane v3, v2  }
0x21b: {  	[tilespmem:s12], [sflag:$0x1] =	stream.indirect_vreg.gather [hbm4b:s5+s3], $0x80, v4, vm0, $0xb8;
	[tilespmem:$0x18200] =	vst v63  }
0x21c: {  	s14 =	simm.s32 $0x9200;
	v3 =	vadd.s32 v1, v3  }
0x21d: {  	[tilespmem:s14], [sflag:$0x1] =	stream.indirect_vreg.gather [hbm4b:s6+s3], $0x80, v4, vm0, $0xb8;
	[tilespmem:$0x18200] =	vst v63  }
0x21e: {  	s25 =	simm.s32 $0x9A00  }
0x21f: {  	[tilespmem:s25], [sflag:$0x1] =	stream.indirect_vreg.gather [hbm4b:s7+s3], $0x80, v4, vm0, $0xb8;
	[tilespmem:$0x18200] =	vst v63  }
0x220: {  	s11 =	simm.s32 $0xA200  }
0x221: {  	[tilespmem:s11], [sflag:$0x1] =	stream.indirect_vreg.gather [hbm4b:s2+s3], $0x80, v3, vm0, $0xb8;
	[tilespmem:$0x18200] =	vst v63  }
0x222: {  	s12 =	simm.s32 $0xAA00  }
0x223: {  	[tilespmem:s12], [sflag:$0x1] =	stream.indirect_vreg.gather [hbm4b:s5+s3], $0x80, v3, vm0, $0xb8;
	[tilespmem:$0x18200] =	vst v63  }
0x224: {  	s14 =	simm.s32 $0xB200  }
0x225: {  	[tilespmem:s14], [sflag:$0x1] =	stream.indirect_vreg.gather [hbm4b:s6+s3], $0x80, v3, vm0, $0xb8;
	[tilespmem:$0x18200] =	vst v63  }
0x226: {  	s25 =	simm.s32 $0xBA00  }
0x227: {  	[tilespmem:s25], [sflag:$0x1] =	stream.indirect_vreg.gather [hbm4b:s7+s3], $0x80, v3, vm0, $0xb8;
	[tilespmem:$0x18200] =	vst v63  }
0x228: {  	v3 =	vld [tilespmem:$0x150];
	_ =	sdelay $0x4  }
0x229: {  	v53 =	vshll.u32 v3, $0x3  }
0x22a: {  	v3 =	vand.u32 $0x7, v3;
	v4 =	vand.u32 $0xFFFFFFC0, v53  }
0x22b: {  	v3 =	vor.u32 v3, v4  }
0x22c: {  	v4 =	vperm.xlane v3, v0;
	_ =	sdelay $0x1  }
0x22d: {  	v4 =	vadd.s32 v1, v4;
	_ =	sdelay $0x3  }
0x22e: {  	s11 =	simm.s32 $0xC200  }
0x22f: {  	[tilespmem:s11], [sflag:$0x1] =	stream.indirect_vreg.gather [hbm4b:s2+s3], $0x80, v4, vm0, $0xb8;
	[tilespmem:$0x18200] =	vst v63  }
0x230: {  	s12 =	simm.s32 $0xCA00;
	v3 =	vperm.xlane v3, v2  }
0x231: {  	[tilespmem:s12], [sflag:$0x1] =	stream.indirect_vreg.gather [hbm4b:s5+s3], $0x80, v4, vm0, $0xb8;
	[tilespmem:$0x18200] =	vst v63  }
0x232: {  	s14 =	simm.s32 $0xD200;
	v3 =	vadd.s32 v1, v3  }
0x233: {  	[tilespmem:s14], [sflag:$0x1] =	stream.indirect_vreg.gather [hbm4b:s6+s3], $0x80, v4, vm0, $0xb8;
	[tilespmem:$0x18200] =	vst v63  }
0x234: {  	s25 =	simm.s32 $0xDA00  }
0x235: {  	[tilespmem:s25], [sflag:$0x1] =	stream.indirect_vreg.gather [hbm4b:s7+s3], $0x80, v4, vm0, $0xb8;
	[tilespmem:$0x18200] =	vst v63  }
0x236: {  	s11 =	simm.s32 $0xE200  }
0x237: {  	[tilespmem:s11], [sflag:$0x1] =	stream.indirect_vreg.gather [hbm4b:s2+s3], $0x80, v3, vm0, $0xb8;
	[tilespmem:$0x18200] =	vst v63  }
0x238: {  	s12 =	simm.s32 $0xEA00  }
0x239: {  	[tilespmem:s12], [sflag:$0x1] =	stream.indirect_vreg.gather [hbm4b:s5+s3], $0x80, v3, vm0, $0xb8;
	[tilespmem:$0x18200] =	vst v63  }
0x23a: {  	s14 =	simm.s32 $0xF200  }
0x23b: {  	[tilespmem:s14], [sflag:$0x1] =	stream.indirect_vreg.gather [hbm4b:s6+s3], $0x80, v3, vm0, $0xb8;
	[tilespmem:$0x18200] =	vst v63  }
0x23c: {  	s12 =	simm.s32 $0xFA00  }
0x23d: {  	[tilespmem:s12], [sflag:$0x1] =	stream.indirect_vreg.gather [hbm4b:s7+s3], $0x80, v3, vm0, $0xb8;
	[tilespmem:$0x18200] =	vst v63  }
0x23e: {  	s25 =	rddreg [dreg:$0xc]  }
0x23f: {  	[hbm4b:s25+s3] =	stream.linear.scatter [tilespmem:s4], [sflag:$0x2], $0x8000, $0x38;
	[tilespmem:$0x18200] =	vst v63  }
0x240: {  	_ =	swait.ge [sflag:s10], $0x8000  }
0x241: {  	[sflag:s10] =	ssyncset.done $0x0  }
0x242: {  	[sflag:s10] =	ssyncadd.s32 $0xFFFF8000  }
0x243: {  	_ =	swait.ge [sflag:s0], $0x8000  }
0x244: {  	[sflag:s0] =	ssyncset.done $0x0  }
0x245: {  	[sflag:s0] =	ssyncadd.s32 $0xFFFF8000  }
0x246: {  	v3 =	vld [tilespmem:$0x160];
	_ =	sdelay $0x4  }
0x247: {  	v54 =	vshll.u32 v3, $0x3  }
0x248: {  	v3 =	vand.u32 $0x7, v3;
	v4 =	vand.u32 $0xFFFFFFC0, v54  }
0x249: {  	v3 =	vor.u32 v3, v4  }
0x24a: {  	v4 =	vperm.xlane v3, v0;
	_ =	sdelay $0x1  }
0x24b: {  	v4 =	vadd.s32 v1, v4;
	_ =	sdelay $0x4  }
0x24c: {  	[tilespmem:s4], [sflag:$0x1] =	stream.indirect_vreg.gather [hbm4b:s2+s3], $0x80, v4, vm0, $0xb8;
	[tilespmem:$0x18200] =	vst v63  }
0x24d: {  	s14 =	simm.s32 $0x10A00;
	v3 =	vperm.xlane v3, v2  }
0x24e: {  	[tilespmem:s14], [sflag:$0x1] =	stream.indirect_vreg.gather [hbm4b:s5+s3], $0x80, v4, vm0, $0xb8;
	[tilespmem:$0x18200] =	vst v63  }
0x24f: {  	s15 =	simm.s32 $0x11200;
	v3 =	vadd.s32 v1, v3  }
0x250: {  	[tilespmem:s15], [sflag:$0x1] =	stream.indirect_vreg.gather [hbm4b:s6+s3], $0x80, v4, vm0, $0xb8;
	[tilespmem:$0x18200] =	vst v63  }
0x251: {  	s31 =	simm.s32 $0x11A00  }
0x252: {  	[tilespmem:s31], [sflag:$0x1] =	stream.indirect_vreg.gather [hbm4b:s7+s3], $0x80, v4, vm0, $0xb8;
	[tilespmem:$0x18200] =	vst v63  }
0x253: {  	s29 =	simm.s32 $0x12200  }
0x254: {  	[tilespmem:s29], [sflag:$0x1] =	stream.indirect_vreg.gather [hbm4b:s2+s3], $0x80, v3, vm0, $0xb8;
	[tilespmem:$0x18200] =	vst v63  }
0x255: {  	s25 =	simm.s32 $0x12A00  }
0x256: {  	[tilespmem:s25], [sflag:$0x1] =	stream.indirect_vreg.gather [hbm4b:s5+s3], $0x80, v3, vm0, $0xb8;
	[tilespmem:$0x18200] =	vst v63  }
0x257: {  	s29 =	simm.s32 $0x13200  }
0x258: {  	[tilespmem:s29], [sflag:$0x1] =	stream.indirect_vreg.gather [hbm4b:s6+s3], $0x80, v3, vm0, $0xb8;
	[tilespmem:$0x18200] =	vst v63  }
0x259: {  	s31 =	simm.s32 $0x13A00  }
0x25a: {  	[tilespmem:s31], [sflag:$0x1] =	stream.indirect_vreg.gather [hbm4b:s7+s3], $0x80, v3, vm0, $0xb8;
	[tilespmem:$0x18200] =	vst v63  }
0x25b: {  	v3 =	vld [tilespmem:$0x170];
	_ =	sdelay $0x4  }
0x25c: {  	v55 =	vshll.u32 v3, $0x3  }
0x25d: {  	v3 =	vand.u32 $0x7, v3;
	v4 =	vand.u32 $0xFFFFFFC0, v55  }
0x25e: {  	v3 =	vor.u32 v3, v4  }
0x25f: {  	v4 =	vperm.xlane v3, v0;
	_ =	sdelay $0x1  }
0x260: {  	v4 =	vadd.s32 v1, v4;
	_ =	sdelay $0x3  }
0x261: {  	s15 =	simm.s32 $0x14200  }
0x262: {  	[tilespmem:s15], [sflag:$0x1] =	stream.indirect_vreg.gather [hbm4b:s2+s3], $0x80, v4, vm0, $0xb8;
	[tilespmem:$0x18200] =	vst v63  }
0x263: {  	s25 =	simm.s32 $0x14A00;
	v3 =	vperm.xlane v3, v2  }
0x264: {  	[tilespmem:s25], [sflag:$0x1] =	stream.indirect_vreg.gather [hbm4b:s5+s3], $0x80, v4, vm0, $0xb8;
	[tilespmem:$0x18200] =	vst v63  }
0x265: {  	s29 =	simm.s32 $0x15200;
	v3 =	vadd.s32 v1, v3  }
0x266: {  	[tilespmem:s29], [sflag:$0x1] =	stream.indirect_vreg.gather [hbm4b:s6+s3], $0x80, v4, vm0, $0xb8;
	[tilespmem:$0x18200] =	vst v63  }
0x267: {  	s31 =	simm.s32 $0x15A00  }
0x268: {  	[tilespmem:s31], [sflag:$0x1] =	stream.indirect_vreg.gather [hbm4b:s7+s3], $0x80, v4, vm0, $0xb8;
	[tilespmem:$0x18200] =	vst v63  }
0x269: {  	s15 =	simm.s32 $0x16200  }
0x26a: {  	[tilespmem:s15], [sflag:$0x1] =	stream.indirect_vreg.gather [hbm4b:s2+s3], $0x80, v3, vm0, $0xb8;
	[tilespmem:$0x18200] =	vst v63  }
0x26b: {  	s25 =	simm.s32 $0x16A00  }
0x26c: {  	[tilespmem:s25], [sflag:$0x1] =	stream.indirect_vreg.gather [hbm4b:s5+s3], $0x80, v3, vm0, $0xb8;
	[tilespmem:$0x18200] =	vst v63  }
0x26d: {  	s29 =	simm.s32 $0x17200  }
0x26e: {  	[tilespmem:s29], [sflag:$0x1] =	stream.indirect_vreg.gather [hbm4b:s6+s3], $0x80, v3, vm0, $0xb8;
	[tilespmem:$0x18200] =	vst v63  }
0x26f: {  	s20 =	simm.s32 $0x17A00  }
0x270: {  	[tilespmem:s20], [sflag:$0x1] =	stream.indirect_vreg.gather [hbm4b:s7+s3], $0x80, v3, vm0, $0xb8;
	[tilespmem:$0x18200] =	vst v63  }
0x271: {  	s31 =	rddreg [dreg:$0xd]  }
0x272: {  	[hbm4b:s31+s3] =	stream.linear.scatter [tilespmem:s9], [sflag:$0x2], $0x8000, $0x38;
	[tilespmem:$0x18200] =	vst v63  }
0x273: {  	_ =	swait.ge [sflag:s10], $0x8000  }
0x274: {  	[sflag:s10] =	ssyncset.done $0x0  }
0x275: {  	[sflag:s10] =	ssyncadd.s32 $0xFFFF8000  }
0x276: {  	_ =	swait.ge [sflag:s0], $0x8000  }
0x277: {  	[sflag:s0] =	ssyncset.done $0x0  }
0x278: {  	[sflag:s0] =	ssyncadd.s32 $0xFFFF8000  }
0x279: {  	v3 =	vld [tilespmem:$0x180];
	_ =	sdelay $0x4  }
0x27a: {  	v56 =	vshll.u32 v3, $0x3  }
0x27b: {  	v3 =	vand.u32 $0x7, v3;
	v4 =	vand.u32 $0xFFFFFFC0, v56  }
0x27c: {  	v3 =	vor.u32 v3, v4  }
0x27d: {  	v4 =	vperm.xlane v3, v0;
	_ =	sdelay $0x1  }
0x27e: {  	v4 =	vadd.s32 v1, v4;
	_ =	sdelay $0x4  }
0x27f: {  	[tilespmem:s9], [sflag:$0x1] =	stream.indirect_vreg.gather [hbm4b:s2+s3], $0x80, v4, vm0, $0xb8;
	[tilespmem:$0x18200] =	vst v63  }
0x280: {  	s21 =	simm.s32 $0xA00;
	v3 =	vperm.xlane v3, v2  }
0x281: {  	[tilespmem:s21], [sflag:$0x1] =	stream.indirect_vreg.gather [hbm4b:s5+s3], $0x80, v4, vm0, $0xb8;
	[tilespmem:$0x18200] =	vst v63  }
0x282: {  	s16 =	simm.s32 $0x1200;
	v3 =	vadd.s32 v1, v3  }
0x283: {  	[tilespmem:s16], [sflag:$0x1] =	stream.indirect_vreg.gather [hbm4b:s6+s3], $0x80, v4, vm0, $0xb8;
	[tilespmem:$0x18200] =	vst v63  }
0x284: {  	s16 =	simm.s32 $0x1A00  }
0x285: {  	[tilespmem:s16], [sflag:$0x1] =	stream.indirect_vreg.gather [hbm4b:s7+s3], $0x80, v4, vm0, $0xb8;
	[tilespmem:$0x18200] =	vst v63  }
0x286: {  	s24 =	simm.s32 $0x2200  }
0x287: {  	[tilespmem:s24], [sflag:$0x1] =	stream.indirect_vreg.gather [hbm4b:s2+s3], $0x80, v3, vm0, $0xb8;
	[tilespmem:$0x18200] =	vst v63  }
0x288: {  	s24 =	simm.s32 $0x2A00  }
0x289: {  	[tilespmem:s24], [sflag:$0x1] =	stream.indirect_vreg.gather [hbm4b:s5+s3], $0x80, v3, vm0, $0xb8;
	[tilespmem:$0x18200] =	vst v63  }
0x28a: {  	s29 =	simm.s32 $0x3200  }
0x28b: {  	[tilespmem:s29], [sflag:$0x1] =	stream.indirect_vreg.gather [hbm4b:s6+s3], $0x80, v3, vm0, $0xb8;
	[tilespmem:$0x18200] =	vst v63  }
0x28c: {  	s17 =	simm.s32 $0x3A00  }
0x28d: {  	[tilespmem:s17], [sflag:$0x1] =	stream.indirect_vreg.gather [hbm4b:s7+s3], $0x80, v3, vm0, $0xb8;
	[tilespmem:$0x18200] =	vst v63  }
0x28e: {  	v3 =	vld [tilespmem:$0x190];
	_ =	sdelay $0x4  }
0x28f: {  	v57 =	vshll.u32 v3, $0x3  }
0x290: {  	v3 =	vand.u32 $0x7, v3;
	v4 =	vand.u32 $0xFFFFFFC0, v57  }
0x291: {  	v3 =	vor.u32 v3, v4  }
0x292: {  	v4 =	vperm.xlane v3, v0;
	_ =	sdelay $0x1  }
0x293: {  	v4 =	vadd.s32 v1, v4;
	_ =	sdelay $0x3  }
0x294: {  	s18 =	simm.s32 $0x4200  }
0x295: {  	[tilespmem:s18], [sflag:$0x1] =	stream.indirect_vreg.gather [hbm4b:s2+s3], $0x80, v4, vm0, $0xb8;
	[tilespmem:$0x18200] =	vst v63  }
0x296: {  	s19 =	simm.s32 $0x4A00;
	v3 =	vperm.xlane v3, v2  }
0x297: {  	[tilespmem:s19], [sflag:$0x1] =	stream.indirect_vreg.gather [hbm4b:s5+s3], $0x80, v4, vm0, $0xb8;
	[tilespmem:$0x18200] =	vst v63  }
0x298: {  	s30 =	simm.s32 $0x5200;
	v3 =	vadd.s32 v1, v3  }
0x299: {  	[tilespmem:s30], [sflag:$0x1] =	stream.indirect_vreg.gather [hbm4b:s6+s3], $0x80, v4, vm0, $0xb8;
	[tilespmem:$0x18200] =	vst v63  }
0x29a: {  	s23 =	simm.s32 $0x5A00  }
0x29b: {  	[tilespmem:s23], [sflag:$0x1] =	stream.indirect_vreg.gather [hbm4b:s7+s3], $0x80, v4, vm0, $0xb8;
	[tilespmem:$0x18200] =	vst v63  }
0x29c: {  	s26 =	simm.s32 $0x6200  }
0x29d: {  	[tilespmem:s26], [sflag:$0x1] =	stream.indirect_vreg.gather [hbm4b:s2+s3], $0x80, v3, vm0, $0xb8;
	[tilespmem:$0x18200] =	vst v63  }
0x29e: {  	s22 =	simm.s32 $0x6A00  }
0x29f: {  	[tilespmem:s22], [sflag:$0x1] =	stream.indirect_vreg.gather [hbm4b:s5+s3], $0x80, v3, vm0, $0xb8;
	[tilespmem:$0x18200] =	vst v63  }
0x2a0: {  	s13 =	simm.s32 $0x7200  }
0x2a1: {  	[tilespmem:s13], [sflag:$0x1] =	stream.indirect_vreg.gather [hbm4b:s6+s3], $0x80, v3, vm0, $0xb8;
	[tilespmem:$0x18200] =	vst v63  }
0x2a2: {  	s26 =	simm.s32 $0x7A00  }
0x2a3: {  	[tilespmem:s26], [sflag:$0x1] =	stream.indirect_vreg.gather [hbm4b:s7+s3], $0x80, v3, vm0, $0xb8;
	[tilespmem:$0x18200] =	vst v63  }
0x2a4: {  	s30 =	rddreg [dreg:$0xe]  }
0x2a5: {  	[hbm4b:s30+s3] =	stream.linear.scatter [tilespmem:s28], [sflag:$0x2], $0x8000, $0x38;
	[tilespmem:$0x18200] =	vst v63  }
0x2a6: {  	_ =	swait.ge [sflag:s10], $0x8000  }
0x2a7: {  	[sflag:s10] =	ssyncset.done $0x0  }
0x2a8: {  	[sflag:s10] =	ssyncadd.s32 $0xFFFF8000  }
0x2a9: {  	_ =	swait.ge [sflag:s0], $0x8000  }
0x2aa: {  	[sflag:s0] =	ssyncset.done $0x0  }
0x2ab: {  	[sflag:s0] =	ssyncadd.s32 $0xFFFF8000  }
0x2ac: {  	v3 =	vld [tilespmem:$0x1A0];
	_ =	sdelay $0x4  }
0x2ad: {  	v58 =	vshll.u32 v3, $0x3  }
0x2ae: {  	v3 =	vand.u32 $0x7, v3;
	v4 =	vand.u32 $0xFFFFFFC0, v58  }
0x2af: {  	v3 =	vor.u32 v3, v4  }
0x2b0: {  	v4 =	vperm.xlane v3, v0;
	_ =	sdelay $0x1  }
0x2b1: {  	v4 =	vadd.s32 v1, v4;
	_ =	sdelay $0x4  }
0x2b2: {  	[tilespmem:s28], [sflag:$0x1] =	stream.indirect_vreg.gather [hbm4b:s2+s3], $0x80, v4, vm0, $0xb8;
	[tilespmem:$0x18200] =	vst v63  }
0x2b3: {  	s30 =	simm.s32 $0x8A00;
	v3 =	vperm.xlane v3, v2  }
0x2b4: {  	[tilespmem:s30], [sflag:$0x1] =	stream.indirect_vreg.gather [hbm4b:s5+s3], $0x80, v4, vm0, $0xb8;
	[tilespmem:$0x18200] =	vst v63  }
0x2b5: {  	s26 =	simm.s32 $0x9200;
	v3 =	vadd.s32 v1, v3  }
0x2b6: {  	[tilespmem:s26], [sflag:$0x1] =	stream.indirect_vreg.gather [hbm4b:s6+s3], $0x80, v4, vm0, $0xb8;
	[tilespmem:$0x18200] =	vst v63  }
0x2b7: {  	s30 =	simm.s32 $0x9A00  }
0x2b8: {  	[tilespmem:s30], [sflag:$0x1] =	stream.indirect_vreg.gather [hbm4b:s7+s3], $0x80, v4, vm0, $0xb8;
	[tilespmem:$0x18200] =	vst v63  }
0x2b9: {  	s26 =	simm.s32 $0xA200  }
0x2ba: {  	[tilespmem:s26], [sflag:$0x1] =	stream.indirect_vreg.gather [hbm4b:s2+s3], $0x80, v3, vm0, $0xb8;
	[tilespmem:$0x18200] =	vst v63  }
0x2bb: {  	s30 =	simm.s32 $0xAA00  }
0x2bc: {  	[tilespmem:s30], [sflag:$0x1] =	stream.indirect_vreg.gather [hbm4b:s5+s3], $0x80, v3, vm0, $0xb8;
	[tilespmem:$0x18200] =	vst v63  }
0x2bd: {  	s26 =	simm.s32 $0xB200  }
0x2be: {  	[tilespmem:s26], [sflag:$0x1] =	stream.indirect_vreg.gather [hbm4b:s6+s3], $0x80, v3, vm0, $0xb8;
	[tilespmem:$0x18200] =	vst v63  }
0x2bf: {  	s30 =	simm.s32 $0xBA00  }
0x2c0: {  	[tilespmem:s30], [sflag:$0x1] =	stream.indirect_vreg.gather [hbm4b:s7+s3], $0x80, v3, vm0, $0xb8;
	[tilespmem:$0x18200] =	vst v63  }
0x2c1: {  	v3 =	vld [tilespmem:$0x1B0];
	_ =	sdelay $0x4  }
0x2c2: {  	v59 =	vshll.u32 v3, $0x3  }
0x2c3: {  	v3 =	vand.u32 $0x7, v3;
	v4 =	vand.u32 $0xFFFFFFC0, v59  }
0x2c4: {  	v3 =	vor.u32 v3, v4  }
0x2c5: {  	v4 =	vperm.xlane v3, v0;
	_ =	sdelay $0x1  }
0x2c6: {  	v4 =	vadd.s32 v1, v4;
	_ =	sdelay $0x3  }
0x2c7: {  	s26 =	simm.s32 $0xC200  }
0x2c8: {  	[tilespmem:s26], [sflag:$0x1] =	stream.indirect_vreg.gather [hbm4b:s2+s3], $0x80, v4, vm0, $0xb8;
	[tilespmem:$0x18200] =	vst v63  }
0x2c9: {  	s30 =	simm.s32 $0xCA00;
	v3 =	vperm.xlane v3, v2  }
0x2ca: {  	[tilespmem:s30], [sflag:$0x1] =	stream.indirect_vreg.gather [hbm4b:s5+s3], $0x80, v4, vm0, $0xb8;
	[tilespmem:$0x18200] =	vst v63  }
0x2cb: {  	v3 =	vadd.s32 v1, v3;
	s26 =	simm.s32 $0xD200  }
0x2cc: {  	[tilespmem:s26], [sflag:$0x1] =	stream.indirect_vreg.gather [hbm4b:s6+s3], $0x80, v4, vm0, $0xb8;
	[tilespmem:$0x18200] =	vst v63  }
0x2cd: {  	s30 =	simm.s32 $0xDA00  }
0x2ce: {  	[tilespmem:s30], [sflag:$0x1] =	stream.indirect_vreg.gather [hbm4b:s7+s3], $0x80, v4, vm0, $0xb8;
	[tilespmem:$0x18200] =	vst v63  }
0x2cf: {  	s26 =	simm.s32 $0xE200  }
0x2d0: {  	[tilespmem:s26], [sflag:$0x1] =	stream.indirect_vreg.gather [hbm4b:s2+s3], $0x80, v3, vm0, $0xb8;
	[tilespmem:$0x18200] =	vst v63  }
0x2d1: {  	s30 =	simm.s32 $0xEA00  }
0x2d2: {  	[tilespmem:s30], [sflag:$0x1] =	stream.indirect_vreg.gather [hbm4b:s5+s3], $0x80, v3, vm0, $0xb8;
	[tilespmem:$0x18200] =	vst v63  }
0x2d3: {  	s26 =	simm.s32 $0xF200  }
0x2d4: {  	[tilespmem:s26], [sflag:$0x1] =	stream.indirect_vreg.gather [hbm4b:s6+s3], $0x80, v3, vm0, $0xb8;
	[tilespmem:$0x18200] =	vst v63  }
0x2d5: {  	s30 =	simm.s32 $0xFA00  }
0x2d6: {  	[tilespmem:s30], [sflag:$0x1] =	stream.indirect_vreg.gather [hbm4b:s7+s3], $0x80, v3, vm0, $0xb8;
	[tilespmem:$0x18200] =	vst v63  }
0x2d7: {  	s1 =	rddreg [dreg:$0xf]  }
0x2d8: {  	[hbm4b:s1+s3] =	stream.linear.scatter [tilespmem:s4], [sflag:$0x2], $0x8000, $0x38;
	[tilespmem:$0x18200] =	vst v63  }
0x2d9: {  	_ =	swait.ge [sflag:s10], $0x8000  }
0x2da: {  	[sflag:s10] =	ssyncset.done $0x0  }
0x2db: {  	[sflag:s10] =	ssyncadd.s32 $0xFFFF8000  }
0x2dc: {  	_ =	swait.ge [sflag:s0], $0x8000  }
0x2dd: {  	[sflag:s0] =	ssyncset.done $0x0  }
0x2de: {  	[sflag:s0] =	ssyncadd.s32 $0xFFFF8000  }
0x2df: {  	v3 =	vld [tilespmem:$0x1C0];
	_ =	sdelay $0x4  }
0x2e0: {  	v60 =	vshll.u32 v3, $0x3  }
0x2e1: {  	v3 =	vand.u32 $0x7, v3;
	v4 =	vand.u32 $0xFFFFFFC0, v60  }
0x2e2: {  	v3 =	vor.u32 v3, v4  }
0x2e3: {  	v4 =	vperm.xlane v3, v0;
	_ =	sdelay $0x1  }
0x2e4: {  	v4 =	vadd.s32 v1, v4;
	_ =	sdelay $0x4  }
0x2e5: {  	[tilespmem:s4], [sflag:$0x1] =	stream.indirect_vreg.gather [hbm4b:s2+s3], $0x80, v4, vm0, $0xb8;
	[tilespmem:$0x18200] =	vst v63  }
0x2e6: {  	s30 =	simm.s32 $0x10A00;
	v3 =	vperm.xlane v3, v2  }
0x2e7: {  	[tilespmem:s30], [sflag:$0x1] =	stream.indirect_vreg.gather [hbm4b:s5+s3], $0x80, v4, vm0, $0xb8;
	[tilespmem:$0x18200] =	vst v63  }
0x2e8: {  	s14 =	simm.s32 $0x11200;
	v3 =	vadd.s32 v1, v3  }
0x2e9: {  	[tilespmem:s14], [sflag:$0x1] =	stream.indirect_vreg.gather [hbm4b:s6+s3], $0x80, v4, vm0, $0xb8;
	[tilespmem:$0x18200] =	vst v63  }
0x2ea: {  	s12 =	simm.s32 $0x11A00  }
0x2eb: {  	[tilespmem:s12], [sflag:$0x1] =	stream.indirect_vreg.gather [hbm4b:s7+s3], $0x80, v4, vm0, $0xb8;
	[tilespmem:$0x18200] =	vst v63  }
0x2ec: {  	s11 =	simm.s32 $0x12200  }
0x2ed: {  	[tilespmem:s11], [sflag:$0x1] =	stream.indirect_vreg.gather [hbm4b:s2+s3], $0x80, v3, vm0, $0xb8;
	[tilespmem:$0x18200] =	vst v63  }
0x2ee: {  	s14 =	simm.s32 $0x12A00  }
0x2ef: {  	[tilespmem:s14], [sflag:$0x1] =	stream.indirect_vreg.gather [hbm4b:s5+s3], $0x80, v3, vm0, $0xb8;
	[tilespmem:$0x18200] =	vst v63  }
0x2f0: {  	s26 =	simm.s32 $0x13200  }
0x2f1: {  	[tilespmem:s26], [sflag:$0x1] =	stream.indirect_vreg.gather [hbm4b:s6+s3], $0x80, v3, vm0, $0xb8;
	[tilespmem:$0x18200] =	vst v63  }
0x2f2: {  	s30 =	simm.s32 $0x13A00  }
0x2f3: {  	[tilespmem:s30], [sflag:$0x1] =	stream.indirect_vreg.gather [hbm4b:s7+s3], $0x80, v3, vm0, $0xb8;
	[tilespmem:$0x18200] =	vst v63  }
0x2f4: {  	v3 =	vld [tilespmem:$0x1D0];
	_ =	sdelay $0x4  }
0x2f5: {  	v61 =	vshll.u32 v3, $0x3  }
0x2f6: {  	v3 =	vand.u32 $0x7, v3;
	v4 =	vand.u32 $0xFFFFFFC0, v61  }
0x2f7: {  	v3 =	vor.u32 v3, v4  }
0x2f8: {  	v4 =	vperm.xlane v3, v0;
	_ =	sdelay $0x1  }
0x2f9: {  	v4 =	vadd.s32 v1, v4;
	_ =	sdelay $0x3  }
0x2fa: {  	s11 =	simm.s32 $0x14200  }
0x2fb: {  	[tilespmem:s11], [sflag:$0x1] =	stream.indirect_vreg.gather [hbm4b:s2+s3], $0x80, v4, vm0, $0xb8;
	[tilespmem:$0x18200] =	vst v63  }
0x2fc: {  	s12 =	simm.s32 $0x14A00;
	v3 =	vperm.xlane v3, v2  }
0x2fd: {  	[tilespmem:s12], [sflag:$0x1] =	stream.indirect_vreg.gather [hbm4b:s5+s3], $0x80, v4, vm0, $0xb8;
	[tilespmem:$0x18200] =	vst v63  }
0x2fe: {  	s14 =	simm.s32 $0x15200;
	v3 =	vadd.s32 v1, v3  }
0x2ff: {  	[tilespmem:s14], [sflag:$0x1] =	stream.indirect_vreg.gather [hbm4b:s6+s3], $0x80, v4, vm0, $0xb8;
	[tilespmem:$0x18200] =	vst v63  }
0x300: {  	s26 =	simm.s32 $0x15A00  }
0x301: {  	[tilespmem:s26], [sflag:$0x1] =	stream.indirect_vreg.gather [hbm4b:s7+s3], $0x80, v4, vm0, $0xb8;
	[tilespmem:$0x18200] =	vst v63  }
0x302: {  	s30 =	simm.s32 $0x16200  }
0x303: {  	[tilespmem:s30], [sflag:$0x1] =	stream.indirect_vreg.gather [hbm4b:s2+s3], $0x80, v3, vm0, $0xb8;
	[tilespmem:$0x18200] =	vst v63  }
0x304: {  	s11 =	simm.s32 $0x16A00  }
0x305: {  	[tilespmem:s11], [sflag:$0x1] =	stream.indirect_vreg.gather [hbm4b:s5+s3], $0x80, v3, vm0, $0xb8;
	[tilespmem:$0x18200] =	vst v63  }
0x306: {  	s12 =	simm.s32 $0x17200  }
0x307: {  	[tilespmem:s12], [sflag:$0x1] =	stream.indirect_vreg.gather [hbm4b:s6+s3], $0x80, v3, vm0, $0xb8;
	[tilespmem:$0x18200] =	vst v63  }
0x308: {  	s15 =	simm.s32 $0x17A00  }
0x309: {  	[tilespmem:s15], [sflag:$0x1] =	stream.indirect_vreg.gather [hbm4b:s7+s3], $0x80, v3, vm0, $0xb8;
	[tilespmem:$0x18200] =	vst v63  }
0x30a: {  	s14 =	rddreg [dreg:$0x10]  }
0x30b: {  	[hbm4b:s14+s3] =	stream.linear.scatter [tilespmem:s9], [sflag:$0x2], $0x8000, $0x38;
	[tilespmem:$0x18200] =	vst v63  }
0x30c: {  	_ =	swait.ge [sflag:s10], $0x8000  }
0x30d: {  	[sflag:s10] =	ssyncset.done $0x0  }
0x30e: {  	[sflag:s10] =	ssyncadd.s32 $0xFFFF8000  }
0x30f: {  	_ =	swait.ge [sflag:s0], $0x8000  }
0x310: {  	[sflag:s0] =	ssyncset.done $0x0  }
0x311: {  	[sflag:s0] =	ssyncadd.s32 $0xFFFF8000  }
0x312: {  	v3 =	vld [tilespmem:$0x1E0];
	_ =	sdelay $0x4  }
0x313: {  	v62 =	vshll.u32 v3, $0x3  }
0x314: {  	v3 =	vand.u32 $0x7, v3;
	v4 =	vand.u32 $0xFFFFFFC0, v62  }
0x315: {  	v3 =	vor.u32 v3, v4  }
0x316: {  	v4 =	vperm.xlane v3, v0;
	_ =	sdelay $0x1  }
0x317: {  	v4 =	vadd.s32 v1, v4;
	_ =	sdelay $0x4  }
0x318: {  	[tilespmem:s9], [sflag:$0x1] =	stream.indirect_vreg.gather [hbm4b:s2+s3], $0x80, v4, vm0, $0xb8;
	[tilespmem:$0x18200] =	vst v63  }
0x319: {  	s20 =	simm.s32 $0xA00;
	v3 =	vperm.xlane v3, v2  }
0x31a: {  	[tilespmem:s20], [sflag:$0x1] =	stream.indirect_vreg.gather [hbm4b:s5+s3], $0x80, v4, vm0, $0xb8;
	[tilespmem:$0x18200] =	vst v63  }
0x31b: {  	s21 =	simm.s32 $0x1200;
	v3 =	vadd.s32 v1, v3  }
0x31c: {  	[tilespmem:s21], [sflag:$0x1] =	stream.indirect_vreg.gather [hbm4b:s6+s3], $0x80, v4, vm0, $0xb8;
	[tilespmem:$0x18200] =	vst v63  }
0x31d: {  	s25 =	simm.s32 $0x1A00  }
0x31e: {  	[tilespmem:s25], [sflag:$0x1] =	stream.indirect_vreg.gather [hbm4b:s7+s3], $0x80, v4, vm0, $0xb8;
	[tilespmem:$0x18200] =	vst v63  }
0x31f: {  	s31 =	simm.s32 $0x2200  }
0x320: {  	[tilespmem:s31], [sflag:$0x1] =	stream.indirect_vreg.gather [hbm4b:s2+s3], $0x80, v3, vm0, $0xb8;
	[tilespmem:$0x18200] =	vst v63  }
0x321: {  	s25 =	simm.s32 $0x2A00  }
0x322: {  	[tilespmem:s25], [sflag:$0x1] =	stream.indirect_vreg.gather [hbm4b:s5+s3], $0x80, v3, vm0, $0xb8;
	[tilespmem:$0x18200] =	vst v63  }
0x323: {  	s26 =	simm.s32 $0x3200  }
0x324: {  	[tilespmem:s26], [sflag:$0x1] =	stream.indirect_vreg.gather [hbm4b:s6+s3], $0x80, v3, vm0, $0xb8;
	[tilespmem:$0x18200] =	vst v63  }
0x325: {  	s16 =	simm.s32 $0x3A00  }
0x326: {  	[tilespmem:s16], [sflag:$0x1] =	stream.indirect_vreg.gather [hbm4b:s7+s3], $0x80, v3, vm0, $0xb8;
	[tilespmem:$0x18200] =	vst v63  }
0x327: {  	v3 =	vld [tilespmem:$0x1F0];
	_ =	sdelay $0x4  }
0x328: {  	v63 =	vshll.u32 v3, $0x3  }
0x329: {  	v3 =	vand.u32 $0x7, v3;
	v4 =	vand.u32 $0xFFFFFFC0, v63  }
0x32a: {  	v3 =	vor.u32 v3, v4  }
0x32b: {  	v4 =	vperm.xlane v3, v0;
	_ =	sdelay $0x1  }
0x32c: {  	v4 =	vadd.s32 v1, v4;
	_ =	sdelay $0x3  }
0x32d: {  	s17 =	simm.s32 $0x4200  }
0x32e: {  	[tilespmem:s17], [sflag:$0x1] =	stream.indirect_vreg.gather [hbm4b:s2+s3], $0x80, v4, vm0, $0xb8;
	[tilespmem:$0x18200] =	vst v63  }
0x32f: {  	s18 =	simm.s32 $0x4A00;
	v3 =	vperm.xlane v3, v2  }
0x330: {  	[tilespmem:s18], [sflag:$0x1] =	stream.indirect_vreg.gather [hbm4b:s5+s3], $0x80, v4, vm0, $0xb8;
	[tilespmem:$0x18200] =	vst v63  }
0x331: {  	s24 =	simm.s32 $0x5200;
	v3 =	vadd.s32 v1, v3  }
0x332: {  	[tilespmem:s24], [sflag:$0x1] =	stream.indirect_vreg.gather [hbm4b:s6+s3], $0x80, v4, vm0, $0xb8;
	[tilespmem:$0x18200] =	vst v63  }
0x333: {  	s29 =	simm.s32 $0x5A00  }
0x334: {  	[tilespmem:s29], [sflag:$0x1] =	stream.indirect_vreg.gather [hbm4b:s7+s3], $0x80, v4, vm0, $0xb8;
	[tilespmem:$0x18200] =	vst v63  }
0x335: {  	s23 =	simm.s32 $0x6200  }
0x336: {  	[tilespmem:s23], [sflag:$0x1] =	stream.indirect_vreg.gather [hbm4b:s2+s3], $0x80, v3, vm0, $0xb8;
	[tilespmem:$0x18200] =	vst v63  }
0x337: {  	s19 =	simm.s32 $0x6A00  }
0x338: {  	[tilespmem:s19], [sflag:$0x1] =	stream.indirect_vreg.gather [hbm4b:s5+s3], $0x80, v3, vm0, $0xb8;
	[tilespmem:$0x18200] =	vst v63  }
0x339: {  	s22 =	simm.s32 $0x7200  }
0x33a: {  	[tilespmem:s22], [sflag:$0x1] =	stream.indirect_vreg.gather [hbm4b:s6+s3], $0x80, v3, vm0, $0xb8;
	[tilespmem:$0x18200] =	vst v63  }
0x33b: {  	s13 =	simm.s32 $0x7A00  }
0x33c: {  	[tilespmem:s13], [sflag:$0x1] =	stream.indirect_vreg.gather [hbm4b:s7+s3], $0x80, v3, vm0, $0xb8;
	[tilespmem:$0x18200] =	vst v63  }
0x33d: {  	s29 =	rddreg [dreg:$0x11]  }
0x33e: {  	[hbm4b:s29+s3] =	stream.linear.scatter [tilespmem:s28], [sflag:$0x2], $0x8000, $0x38;
	[tilespmem:$0x18200] =	vst v63  }
0x33f: {  	_ =	swait.ge [sflag:s10], $0x8000  }
0x340: {  	[sflag:s10] =	ssyncset.done $0x0  }
0x341: {  	s30 =	rddreg [dreg:$0x12];
	[sflag:s10] =	ssyncadd.s32 $0xFFFF8000  }
0x342: {  	[hbm4b:s30+s3] =	stream.linear.scatter [tilespmem:s4], [sflag:$0x2], $0x8000, $0x38;
	[tilespmem:$0x18200] =	vst v63  }
0x343: {  	_ =	swait.ge [sflag:s10], $0x8000  }
0x344: {  	[sflag:s10] =	ssyncset.done $0x0  }
0x345: {  	s31 =	rddreg [dreg:$0x13];
	[sflag:s10] =	ssyncadd.s32 $0xFFFF8000  }
0x346: {  	[hbm4b:s31+s3] =	stream.linear.scatter [tilespmem:s9], [sflag:$0x2], $0x8000, $0x38;
	[tilespmem:$0x18200] =	vst v63  }
0x347: {  	_ =	swait.ge [sflag:s0], $0x8000  }
0x348: {  	[sflag:s0] =	ssyncset.done $0x0  }
0x349: {  	[sflag:s0] =	ssyncadd.s32 $0xFFFF8000  }
0x34a: {  	p0 =	sne.s32 s8, $0x1;
	_ =	swait.ge [sflag:s0], $0x8000  }
.Ltmp0:
0x34b: {  	[sflag:s0] =	ssyncset.done $0x0;
	(pc) =	sbr.rel @p0 .LBB2_1-.Ltmp0, $4  }
0x34c: {  	[sflag:s0] =	ssyncadd.s32 $0xFFFF8000  }
0x34d: {  	_ =	swait.ge [sflag:s0], $0x8000  }
0x34e: {  	[sflag:s0] =	ssyncset.done $0x0  }
0x34f: {  	s8 =	sadd.s32 $0xFFFFFFFF, s8;
	[sflag:s0] =	ssyncadd.s32 $0xFFFF8000  }
0x350: {  	_ =	sfence.sel $0x180000  }
0x351: {  	[bflag:$0x0] =	sbarrier.arrive $0xFFFF  }
0x352: {  	_ =	strace $0x90000047  }
0x353: {  	s0 =	stileid.u32;
	[bflag:$0x2] =	sbarrier.arrive $0xFFFF  }
0x354: {  	p0 =	sne.s32 s0, $0x0;
	s0 =	rddreg [dreg:$0x3]  }
0x355: {  	s0 =	sadd.s32 @!p0 $0x100000, s0  }
0x356: {  	[sflag:s0] =	ssyncadd.tile.s32 @!p0 $0x1;
	_ =	shalt  }
.Lfunc_end2:
_tile_overlayer_lowered:
.L_overlay_start_2:
0x357: {  	(tag) =	ssettag $0x2  }
0x358: {  	s0 =	rddreg [dreg:$0x0];
	s2 =	stileid.u32  }
0x359: {  	s1 =	rddreg [dreg:$0x1];
	p0 =	sne.s32 s2, $0x0  }
0x35a: {  	s3 =	rddreg [dreg:$0x2];
	[bflag:$0x3] =	sbarrier.arrive $0xFFFF;
	s2 =	simm.s32 @!p0 $0x1C03  }
0x35b: {  	[timem:s3], [sflag:s2] =	dma.local @!p0 [hbm:s0], s1  }
0x35c: {  	s0 =	simm.s32 @!p0 $0x3  }
0x35d: {  	_ =	swait.ge @!p0 [sflag:s0], s1  }
0x35e: {  	s1 =	ssub.s32 @!p0 $0x0, s1;
	[sflag:s0] =	ssyncset.done @!p0 $0x0  }
0x35f: {  	[sflag:s0] =	ssyncadd.s32 @!p0 s1  }
0x360: {  	[bflag:$0x3] =	sbarrier.arrive $0xFFFF  }
0x361: {  	_ =	shalt  }

</sc_bundles>
